<compile_context>
chip_gen: v7x
topology: tpu7x:2x2x1
jax: 0.10.2.dev20260603
libtpu: 0.0.44.dev20260713+nightly
codegen_flags: <defaults>
</compile_context>

<pallas_src>
import jax
import jax.numpy as jnp
from jax import lax
from jax.experimental import pallas as pl
from jax.experimental.pallas import tpu as pltpu
from jax.experimental.pallas import tpu_sc as plsc

M, N = 4096, 4096
B, C = 2, 256
NC, NS, L = 2, 16, 16
KE = 2048


def _spmm_body(nch):
    def body(xt_hbm, cols_hbm, rows_hbm, vals_hbm, out_hbm,
             acc_v, buf_v, colsc_v, idx_v, rows_v, vals_v, sem):
        c = lax.axis_index("c")
        s = lax.axis_index("s")
        base = (c * NS + s) * N
        iota = lax.broadcasted_iota(jnp.int32, (L,), 0)
        lane_consts = [jnp.full((L,), i, jnp.int32) for i in range(L)]

        def zero(i, carry):
            for j in range(L):
                acc_v[pl.ds((i * L + j) * L, L)] = jnp.zeros((L,), jnp.float32)
            return carry
        lax.fori_loop(0, M // L, zero, 0)

        def chunk(ch, carry):
            off = ch * KE
            pltpu.sync_copy(cols_hbm.at[pl.ds(off, KE)], colsc_v)
            pltpu.sync_copy(rows_hbm.at[pl.ds(off, KE)], rows_v)
            pltpu.sync_copy(vals_hbm.at[pl.ds(off, KE)], vals_v)

            def mkidx(q, carry2):
                sl = pl.ds(q * L, L)
                idx_v[sl] = colsc_v[sl] + base
                rows_v[sl] = rows_v[sl] * L
                return carry2
            lax.fori_loop(0, KE // L, mkidx, 0)


            def accum(g, carry2):
                rv16 = rows_v[pl.ds(g * L, L)]
                vv = vals_v[pl.ds(g * L, L)]
                for i in range(L):
                    row = buf_v[g * L + i, :] * vv[lane_consts[i]]
                    idx = rv16[lane_consts[i]] + iota
                    plsc.addupdate_scatter(acc_v, [idx], row)
                return carry2
            lax.fori_loop(0, KE // L, accum, 0)
            return carry
        lax.fori_loop(0, nch, chunk, 0)

        pltpu.sync_copy(acc_v, out_hbm.at[c, s])

    return body


def kernel(x, indices, values):
    nnz = values.shape[0]
    nch = -(-nnz // KE)
    pad = nch * KE - nnz

    rows = jnp.concatenate([indices[0], jnp.zeros((pad,), jnp.int32)])
    cols = jnp.concatenate([indices[1], jnp.zeros((pad,), jnp.int32)])
    vals = jnp.concatenate([values.astype(jnp.float32),
                            jnp.zeros((pad,), jnp.float32)])
    xt = (x.astype(jnp.float32)
          .reshape(B, N, NS, L).transpose(0, 2, 1, 3).reshape(B * NS * N, L))

    mesh = plsc.VectorSubcoreMesh(core_axis_name="c", subcore_axis_name="s",
                                  num_cores=NC, num_subcores=NS)
    run = pl.kernel(
        _spmm_body(nch),
        out_type=jax.ShapeDtypeStruct((B, NS, M * L), jnp.float32),
        mesh=mesh,
        compiler_params=pltpu.CompilerParams(needs_layout_passes=False,
                                             use_tc_tiling_on_sc=False),
        scratch_types=[
            pltpu.VMEM((M * L,), jnp.float32),
            pltpu.VMEM((KE, L), jnp.float32),
            pltpu.VMEM((KE,), jnp.int32),
            pltpu.VMEM((KE,), jnp.int32),
            pltpu.VMEM((KE,), jnp.int32),
            pltpu.VMEM((KE,), jnp.float32),
            pltpu.SemaphoreType.DMA,
        ],
    )
    out = run(xt, cols, rows, vals)
    return out.reshape(B, NS, M, L).transpose(0, 2, 1, 3).reshape(B, M, C)

# --- scband reference (transcript-rebuilt; emitter-appended) ---
"""Pipeline reference for scband-mesh-sampling-coo-62345745269207 (READ-ONLY COPY).

The authoritative reference and input builder live on the scoring server;
editing this copy changes nothing except your own understanding.
"""

import jax, jax.numpy as jnp
import numpy as np

M, N = 4096, 4096
NNZ = 167772
B, C = 2, 256

def setup_inputs(seed: int = 0) -> dict:
    key = jax.random.key(seed)
    k1, k2, k3, k4 = jax.random.split(key, 4)
    x = jax.random.normal(k1, (B, N, C), dtype=jnp.float32)
    rows = jax.random.randint(k2, (NNZ,), 0, M, dtype=jnp.int32)
    cols = jax.random.randint(k3, (NNZ,), 0, N, dtype=jnp.int32)
    indices = jnp.stack([rows, cols], axis=0)  # [2, NNZ], COO indices buffer
    values = jax.random.normal(k4, (NNZ,), dtype=jnp.float32)  # COO values buffer
    return {"x": x, "indices": indices, "values": values}

def reference(x, indices, values):
    # Faithful translation of MeshSamplingCOO.forward:
    #   x: [B, N, C] -> permute(1,0,2) -> [N, B, C] -> flatten(1) -> [N, B*C]
    #   out = sparse_coo(indices, values, [M, N]) @ x_flat   (fp32)
    #   out: [M, B*C] -> reshape [M, B, C] -> permute(1,0,2) -> [B, M, C]
    Bd, Nd, Cd = x.shape
    xf = jnp.transpose(x, (1, 0, 2)).reshape(Nd, Bd * Cd).astype(jnp.float32)
    rows = indices[0]
    cols = indices[1]
    # sparse @ dense as gather + scale + scatter-add (segment sum over output rows);
    # duplicate (row,col) entries sum, matching torch's coalesce() + spmm semantics.
    gathered = values[:, None] * jnp.take(xf, cols, axis=0)  # [NNZ, B*C]
    out = jax.ops.segment_sum(gathered, rows, num_segments=M)  # [M, B*C]
    out = out.reshape(M, Bd, Cd)
    out = jnp.transpose(out, (1, 0, 2))  # [B, M, C]
    return out

if __name__ == "__main__":
    import jax
    _d = setup_inputs()
    print(jax.jit(kernel)(*tuple(_d.values())))

</pallas_src>

<mosaic_0001>
#map = affine_map<(d0, d1) -> (0, 0)>
#map1 = affine_map<(d0, d1) -> (0)>
#map2 = affine_map<(d0, d1) -> (0, 0, 0)>
module attributes {stable_mosaic.version = 14 : i64} {
  func.func @body(%arg0: i32, %arg1: i32, %arg2: memref<131072x16xf32, #tpu.memory_space<hbm>>, %arg3: memref<167936xi32, #tpu.memory_space<hbm>>, %arg4: memref<167936xi32, #tpu.memory_space<hbm>>, %arg5: memref<167936xf32, #tpu.memory_space<hbm>>, %arg6: memref<2x16x65536xf32, #tpu.memory_space<hbm>>, %arg7: memref<65536xf32, #tpu.memory_space<vmem>>, %arg8: memref<2048x16xf32, #tpu.memory_space<vmem>>, %arg9: memref<2048xi32, #tpu.memory_space<vmem>>, %arg10: memref<2048xi32, #tpu.memory_space<vmem>>, %arg11: memref<2048xi32, #tpu.memory_space<vmem>>, %arg12: memref<2048xf32, #tpu.memory_space<vmem>>, %arg13: memref<!tpu.dma_semaphore, #tpu.memory_space<semaphore_mem>>) attributes {dimension_semantics = [#tpu.dimension_semantics<core_parallel>, #tpu.dimension_semantics<subcore_parallel>], iteration_bounds = array<i64: 2, 16>, scalar_prefetch = 0 : i64, scratch_operands = 7 : i64, tpu.core_type = #tpu.core_type<sc_vector_subcore>, window_params = [{transform_indices = #map}, {transform_indices = #map1}, {transform_indices = #map1}, {transform_indices = #map1}, {transform_indices = #map2}]} {
    %mul3A = arith.constant 16 : i32
    %mul3A_0 = arith.muli %arg0, %mul3A : i32
    %add3A = arith.addi %mul3A_0, %arg1 : i32
    %mul3A_1 = arith.constant 4096 : i32
    %mul3A_2 = arith.muli %add3A, %mul3A_1 : i32
    %iota3A = tpu.iota {dimensions = array<i32: 0>} : vector<16xi32>
    %broadcast_in_dim3A = arith.constant 0 : i32
    %broadcast_in_dim3A_3 = vector.broadcast %broadcast_in_dim3A : i32 to vector<16xi32>
    %broadcast_in_dim3A_4 = arith.constant 1 : i32
    %broadcast_in_dim3A_5 = vector.broadcast %broadcast_in_dim3A_4 : i32 to vector<16xi32>
    %broadcast_in_dim3A_6 = arith.constant 2 : i32
    %broadcast_in_dim3A_7 = vector.broadcast %broadcast_in_dim3A_6 : i32 to vector<16xi32>
    %broadcast_in_dim3A_8 = arith.constant 3 : i32
    %broadcast_in_dim3A_9 = vector.broadcast %broadcast_in_dim3A_8 : i32 to vector<16xi32>
    %broadcast_in_dim3A_10 = arith.constant 4 : i32
    %broadcast_in_dim3A_11 = vector.broadcast %broadcast_in_dim3A_10 : i32 to vector<16xi32>
    %broadcast_in_dim3A_12 = arith.constant 5 : i32
    %broadcast_in_dim3A_13 = vector.broadcast %broadcast_in_dim3A_12 : i32 to vector<16xi32>
    %broadcast_in_dim3A_14 = arith.constant 6 : i32
    %broadcast_in_dim3A_15 = vector.broadcast %broadcast_in_dim3A_14 : i32 to vector<16xi32>
    %broadcast_in_dim3A_16 = arith.constant 7 : i32
    %broadcast_in_dim3A_17 = vector.broadcast %broadcast_in_dim3A_16 : i32 to vector<16xi32>
    %broadcast_in_dim3A_18 = arith.constant 8 : i32
    %broadcast_in_dim3A_19 = vector.broadcast %broadcast_in_dim3A_18 : i32 to vector<16xi32>
    %broadcast_in_dim3A_20 = arith.constant 9 : i32
    %broadcast_in_dim3A_21 = vector.broadcast %broadcast_in_dim3A_20 : i32 to vector<16xi32>
    %broadcast_in_dim3A_22 = arith.constant 10 : i32
    %broadcast_in_dim3A_23 = vector.broadcast %broadcast_in_dim3A_22 : i32 to vector<16xi32>
    %broadcast_in_dim3A_24 = arith.constant 11 : i32
    %broadcast_in_dim3A_25 = vector.broadcast %broadcast_in_dim3A_24 : i32 to vector<16xi32>
    %broadcast_in_dim3A_26 = arith.constant 12 : i32
    %broadcast_in_dim3A_27 = vector.broadcast %broadcast_in_dim3A_26 : i32 to vector<16xi32>
    %broadcast_in_dim3A_28 = arith.constant 13 : i32
    %broadcast_in_dim3A_29 = vector.broadcast %broadcast_in_dim3A_28 : i32 to vector<16xi32>
    %broadcast_in_dim3A_30 = arith.constant 14 : i32
    %broadcast_in_dim3A_31 = vector.broadcast %broadcast_in_dim3A_30 : i32 to vector<16xi32>
    %broadcast_in_dim3A_32 = arith.constant 15 : i32
    %broadcast_in_dim3A_33 = vector.broadcast %broadcast_in_dim3A_32 : i32 to vector<16xi32>
    %scan3A = arith.constant 0 : i32
    %scan3A_34 = arith.constant 0 : i32
    %scan3A_35 = arith.constant 256 : i32
    %scan3A_36 = arith.addi %scan3A_34, %scan3A_35 : i32
    %scan3A_37 = arith.constant 1 : i32
    scf.for %scan3A_45 = %scan3A_34 to %scan3A_36 step %scan3A_37  : i32 {
      %broadcast_in_dim3A_46 = arith.constant 0.000000e+00 : f32
      %broadcast_in_dim3A_47 = vector.broadcast %broadcast_in_dim3A_46 : f32 to vector<16xf32>
      %mul3A_48 = arith.constant 16 : i32
      %mul3A_49 = arith.muli %scan3A_45, %mul3A_48 : i32
      %add3A_50 = arith.constant 0 : i32
      %add3A_51 = arith.addi %mul3A_49, %add3A_50 : i32
      %mul3A_52 = arith.constant 16 : i32
      %mul3A_53 = arith.muli %add3A_51, %mul3A_52 : i32
      %swap3A = arith.index_cast %mul3A_53 : i32 to index
      %swap3A_54 = tpu.vector_load %arg7[%swap3A] {strides = array<i32>} : memref<65536xf32, #tpu.memory_space<vmem>>, vector<16xf32>,
      tpu.vector_store %arg7[%swap3A], %broadcast_in_dim3A_47 {strides = array<i32>} : memref<65536xf32, #tpu.memory_space<vmem>>, vector<16xf32>,
      %broadcast_in_dim3A_55 = arith.constant 0.000000e+00 : f32
      %broadcast_in_dim3A_56 = vector.broadcast %broadcast_in_dim3A_55 : f32 to vector<16xf32>
      %mul3A_57 = arith.constant 16 : i32
      %mul3A_58 = arith.muli %scan3A_45, %mul3A_57 : i32
      %add3A_59 = arith.constant 1 : i32
      %add3A_60 = arith.addi %mul3A_58, %add3A_59 : i32
      %mul3A_61 = arith.constant 16 : i32
      %mul3A_62 = arith.muli %add3A_60, %mul3A_61 : i32
      %swap3A_63 = arith.index_cast %mul3A_62 : i32 to index
      %swap3A_64 = tpu.vector_load %arg7[%swap3A_63] {strides = array<i32>} : memref<65536xf32, #tpu.memory_space<vmem>>, vector<16xf32>,
      tpu.vector_store %arg7[%swap3A_63], %broadcast_in_dim3A_56 {strides = array<i32>} : memref<65536xf32, #tpu.memory_space<vmem>>, vector<16xf32>,
      %broadcast_in_dim3A_65 = arith.constant 0.000000e+00 : f32
      %broadcast_in_dim3A_66 = vector.broadcast %broadcast_in_dim3A_65 : f32 to vector<16xf32>
      %mul3A_67 = arith.constant 16 : i32
      %mul3A_68 = arith.muli %scan3A_45, %mul3A_67 : i32
      %add3A_69 = arith.constant 2 : i32
      %add3A_70 = arith.addi %mul3A_68, %add3A_69 : i32
      %mul3A_71 = arith.constant 16 : i32
      %mul3A_72 = arith.muli %add3A_70, %mul3A_71 : i32
      %swap3A_73 = arith.index_cast %mul3A_72 : i32 to index
      %swap3A_74 = tpu.vector_load %arg7[%swap3A_73] {strides = array<i32>} : memref<65536xf32, #tpu.memory_space<vmem>>, vector<16xf32>,
      tpu.vector_store %arg7[%swap3A_73], %broadcast_in_dim3A_66 {strides = array<i32>} : memref<65536xf32, #tpu.memory_space<vmem>>, vector<16xf32>,
      %broadcast_in_dim3A_75 = arith.constant 0.000000e+00 : f32
      %broadcast_in_dim3A_76 = vector.broadcast %broadcast_in_dim3A_75 : f32 to vector<16xf32>
      %mul3A_77 = arith.constant 16 : i32
      %mul3A_78 = arith.muli %scan3A_45, %mul3A_77 : i32
      %add3A_79 = arith.constant 3 : i32
      %add3A_80 = arith.addi %mul3A_78, %add3A_79 : i32
      %mul3A_81 = arith.constant 16 : i32
      %mul3A_82 = arith.muli %add3A_80, %mul3A_81 : i32
      %swap3A_83 = arith.index_cast %mul3A_82 : i32 to index
      %swap3A_84 = tpu.vector_load %arg7[%swap3A_83] {strides = array<i32>} : memref<65536xf32, #tpu.memory_space<vmem>>, vector<16xf32>,
      tpu.vector_store %arg7[%swap3A_83], %broadcast_in_dim3A_76 {strides = array<i32>} : memref<65536xf32, #tpu.memory_space<vmem>>, vector<16xf32>,
      %broadcast_in_dim3A_85 = arith.constant 0.000000e+00 : f32
      %broadcast_in_dim3A_86 = vector.broadcast %broadcast_in_dim3A_85 : f32 to vector<16xf32>
      %mul3A_87 = arith.constant 16 : i32
      %mul3A_88 = arith.muli %scan3A_45, %mul3A_87 : i32
      %add3A_89 = arith.constant 4 : i32
      %add3A_90 = arith.addi %mul3A_88, %add3A_89 : i32
      %mul3A_91 = arith.constant 16 : i32
      %mul3A_92 = arith.muli %add3A_90, %mul3A_91 : i32
      %swap3A_93 = arith.index_cast %mul3A_92 : i32 to index
      %swap3A_94 = tpu.vector_load %arg7[%swap3A_93] {strides = array<i32>} : memref<65536xf32, #tpu.memory_space<vmem>>, vector<16xf32>,
      tpu.vector_store %arg7[%swap3A_93], %broadcast_in_dim3A_86 {strides = array<i32>} : memref<65536xf32, #tpu.memory_space<vmem>>, vector<16xf32>,
      %broadcast_in_dim3A_95 = arith.constant 0.000000e+00 : f32
      %broadcast_in_dim3A_96 = vector.broadcast %broadcast_in_dim3A_95 : f32 to vector<16xf32>
      %mul3A_97 = arith.constant 16 : i32
      %mul3A_98 = arith.muli %scan3A_45, %mul3A_97 : i32
      %add3A_99 = arith.constant 5 : i32
      %add3A_100 = arith.addi %mul3A_98, %add3A_99 : i32
      %mul3A_101 = arith.constant 16 : i32
      %mul3A_102 = arith.muli %add3A_100, %mul3A_101 : i32
      %swap3A_103 = arith.index_cast %mul3A_102 : i32 to index
      %swap3A_104 = tpu.vector_load %arg7[%swap3A_103] {strides = array<i32>} : memref<65536xf32, #tpu.memory_space<vmem>>, vector<16xf32>,
      tpu.vector_store %arg7[%swap3A_103], %broadcast_in_dim3A_96 {strides = array<i32>} : memref<65536xf32, #tpu.memory_space<vmem>>, vector<16xf32>,
      %broadcast_in_dim3A_105 = arith.constant 0.000000e+00 : f32
      %broadcast_in_dim3A_106 = vector.broadcast %broadcast_in_dim3A_105 : f32 to vector<16xf32>
      %mul3A_107 = arith.constant 16 : i32
      %mul3A_108 = arith.muli %scan3A_45, %mul3A_107 : i32
      %add3A_109 = arith.constant 6 : i32
      %add3A_110 = arith.addi %mul3A_108, %add3A_109 : i32
      %mul3A_111 = arith.constant 16 : i32
      %mul3A_112 = arith.muli %add3A_110, %mul3A_111 : i32
      %swap3A_113 = arith.index_cast %mul3A_112 : i32 to index
      %swap3A_114 = tpu.vector_load %arg7[%swap3A_113] {strides = array<i32>} : memref<65536xf32, #tpu.memory_space<vmem>>, vector<16xf32>,
      tpu.vector_store %arg7[%swap3A_113], %broadcast_in_dim3A_106 {strides = array<i32>} : memref<65536xf32, #tpu.memory_space<vmem>>, vector<16xf32>,
      %broadcast_in_dim3A_115 = arith.constant 0.000000e+00 : f32
      %broadcast_in_dim3A_116 = vector.broadcast %broadcast_in_dim3A_115 : f32 to vector<16xf32>
      %mul3A_117 = arith.constant 16 : i32
      %mul3A_118 = arith.muli %scan3A_45, %mul3A_117 : i32
      %add3A_119 = arith.constant 7 : i32
      %add3A_120 = arith.addi %mul3A_118, %add3A_119 : i32
      %mul3A_121 = arith.constant 16 : i32
      %mul3A_122 = arith.muli %add3A_120, %mul3A_121 : i32
      %swap3A_123 = arith.index_cast %mul3A_122 : i32 to index
      %swap3A_124 = tpu.vector_load %arg7[%swap3A_123] {strides = array<i32>} : memref<65536xf32, #tpu.memory_space<vmem>>, vector<16xf32>,
      tpu.vector_store %arg7[%swap3A_123], %broadcast_in_dim3A_116 {strides = array<i32>} : memref<65536xf32, #tpu.memory_space<vmem>>, vector<16xf32>,
      %broadcast_in_dim3A_125 = arith.constant 0.000000e+00 : f32
      %broadcast_in_dim3A_126 = vector.broadcast %broadcast_in_dim3A_125 : f32 to vector<16xf32>
      %mul3A_127 = arith.constant 16 : i32
      %mul3A_128 = arith.muli %scan3A_45, %mul3A_127 : i32
      %add3A_129 = arith.constant 8 : i32
      %add3A_130 = arith.addi %mul3A_128, %add3A_129 : i32
      %mul3A_131 = arith.constant 16 : i32
      %mul3A_132 = arith.muli %add3A_130, %mul3A_131 : i32
      %swap3A_133 = arith.index_cast %mul3A_132 : i32 to index
      %swap3A_134 = tpu.vector_load %arg7[%swap3A_133] {strides = array<i32>} : memref<65536xf32, #tpu.memory_space<vmem>>, vector<16xf32>,
      tpu.vector_store %arg7[%swap3A_133], %broadcast_in_dim3A_126 {strides = array<i32>} : memref<65536xf32, #tpu.memory_space<vmem>>, vector<16xf32>,
      %broadcast_in_dim3A_135 = arith.constant 0.000000e+00 : f32
      %broadcast_in_dim3A_136 = vector.broadcast %broadcast_in_dim3A_135 : f32 to vector<16xf32>
      %mul3A_137 = arith.constant 16 : i32
      %mul3A_138 = arith.muli %scan3A_45, %mul3A_137 : i32
      %add3A_139 = arith.constant 9 : i32
      %add3A_140 = arith.addi %mul3A_138, %add3A_139 : i32
      %mul3A_141 = arith.constant 16 : i32
      %mul3A_142 = arith.muli %add3A_140, %mul3A_141 : i32
      %swap3A_143 = arith.index_cast %mul3A_142 : i32 to index
      %swap3A_144 = tpu.vector_load %arg7[%swap3A_143] {strides = array<i32>} : memref<65536xf32, #tpu.memory_space<vmem>>, vector<16xf32>,
      tpu.vector_store %arg7[%swap3A_143], %broadcast_in_dim3A_136 {strides = array<i32>} : memref<65536xf32, #tpu.memory_space<vmem>>, vector<16xf32>,
      %broadcast_in_dim3A_145 = arith.constant 0.000000e+00 : f32
      %broadcast_in_dim3A_146 = vector.broadcast %broadcast_in_dim3A_145 : f32 to vector<16xf32>
      %mul3A_147 = arith.constant 16 : i32
      %mul3A_148 = arith.muli %scan3A_45, %mul3A_147 : i32
      %add3A_149 = arith.constant 10 : i32
      %add3A_150 = arith.addi %mul3A_148, %add3A_149 : i32
      %mul3A_151 = arith.constant 16 : i32
      %mul3A_152 = arith.muli %add3A_150, %mul3A_151 : i32
      %swap3A_153 = arith.index_cast %mul3A_152 : i32 to index
      %swap3A_154 = tpu.vector_load %arg7[%swap3A_153] {strides = array<i32>} : memref<65536xf32, #tpu.memory_space<vmem>>, vector<16xf32>,
      tpu.vector_store %arg7[%swap3A_153], %broadcast_in_dim3A_146 {strides = array<i32>} : memref<65536xf32, #tpu.memory_space<vmem>>, vector<16xf32>,
      %broadcast_in_dim3A_155 = arith.constant 0.000000e+00 : f32
      %broadcast_in_dim3A_156 = vector.broadcast %broadcast_in_dim3A_155 : f32 to vector<16xf32>
      %mul3A_157 = arith.constant 16 : i32
      %mul3A_158 = arith.muli %scan3A_45, %mul3A_157 : i32
      %add3A_159 = arith.constant 11 : i32
      %add3A_160 = arith.addi %mul3A_158, %add3A_159 : i32
      %mul3A_161 = arith.constant 16 : i32
      %mul3A_162 = arith.muli %add3A_160, %mul3A_161 : i32
      %swap3A_163 = arith.index_cast %mul3A_162 : i32 to index
      %swap3A_164 = tpu.vector_load %arg7[%swap3A_163] {strides = array<i32>} : memref<65536xf32, #tpu.memory_space<vmem>>, vector<16xf32>,
      tpu.vector_store %arg7[%swap3A_163], %broadcast_in_dim3A_156 {strides = array<i32>} : memref<65536xf32, #tpu.memory_space<vmem>>, vector<16xf32>,
      %broadcast_in_dim3A_165 = arith.constant 0.000000e+00 : f32
      %broadcast_in_dim3A_166 = vector.broadcast %broadcast_in_dim3A_165 : f32 to vector<16xf32>
      %mul3A_167 = arith.constant 16 : i32
      %mul3A_168 = arith.muli %scan3A_45, %mul3A_167 : i32
      %add3A_169 = arith.constant 12 : i32
      %add3A_170 = arith.addi %mul3A_168, %add3A_169 : i32
      %mul3A_171 = arith.constant 16 : i32
      %mul3A_172 = arith.muli %add3A_170, %mul3A_171 : i32
      %swap3A_173 = arith.index_cast %mul3A_172 : i32 to index
      %swap3A_174 = tpu.vector_load %arg7[%swap3A_173] {strides = array<i32>} : memref<65536xf32, #tpu.memory_space<vmem>>, vector<16xf32>,
      tpu.vector_store %arg7[%swap3A_173], %broadcast_in_dim3A_166 {strides = array<i32>} : memref<65536xf32, #tpu.memory_space<vmem>>, vector<16xf32>,
      %broadcast_in_dim3A_175 = arith.constant 0.000000e+00 : f32
      %broadcast_in_dim3A_176 = vector.broadcast %broadcast_in_dim3A_175 : f32 to vector<16xf32>
      %mul3A_177 = arith.constant 16 : i32
      %mul3A_178 = arith.muli %scan3A_45, %mul3A_177 : i32
      %add3A_179 = arith.constant 13 : i32
      %add3A_180 = arith.addi %mul3A_178, %add3A_179 : i32
      %mul3A_181 = arith.constant 16 : i32
      %mul3A_182 = arith.muli %add3A_180, %mul3A_181 : i32
      %swap3A_183 = arith.index_cast %mul3A_182 : i32 to index
      %swap3A_184 = tpu.vector_load %arg7[%swap3A_183] {strides = array<i32>} : memref<65536xf32, #tpu.memory_space<vmem>>, vector<16xf32>,
      tpu.vector_store %arg7[%swap3A_183], %broadcast_in_dim3A_176 {strides = array<i32>} : memref<65536xf32, #tpu.memory_space<vmem>>, vector<16xf32>,
      %broadcast_in_dim3A_185 = arith.constant 0.000000e+00 : f32
      %broadcast_in_dim3A_186 = vector.broadcast %broadcast_in_dim3A_185 : f32 to vector<16xf32>
      %mul3A_187 = arith.constant 16 : i32
      %mul3A_188 = arith.muli %scan3A_45, %mul3A_187 : i32
      %add3A_189 = arith.constant 14 : i32
      %add3A_190 = arith.addi %mul3A_188, %add3A_189 : i32
      %mul3A_191 = arith.constant 16 : i32
      %mul3A_192 = arith.muli %add3A_190, %mul3A_191 : i32
      %swap3A_193 = arith.index_cast %mul3A_192 : i32 to index
      %swap3A_194 = tpu.vector_load %arg7[%swap3A_193] {strides = array<i32>} : memref<65536xf32, #tpu.memory_space<vmem>>, vector<16xf32>,
      tpu.vector_store %arg7[%swap3A_193], %broadcast_in_dim3A_186 {strides = array<i32>} : memref<65536xf32, #tpu.memory_space<vmem>>, vector<16xf32>,
      %broadcast_in_dim3A_195 = arith.constant 0.000000e+00 : f32
      %broadcast_in_dim3A_196 = vector.broadcast %broadcast_in_dim3A_195 : f32 to vector<16xf32>
      %mul3A_197 = arith.constant 16 : i32
      %mul3A_198 = arith.muli %scan3A_45, %mul3A_197 : i32
      %add3A_199 = arith.constant 15 : i32
      %add3A_200 = arith.addi %mul3A_198, %add3A_199 : i32
      %mul3A_201 = arith.constant 16 : i32
      %mul3A_202 = arith.muli %add3A_200, %mul3A_201 : i32
      %swap3A_203 = arith.index_cast %mul3A_202 : i32 to index
      %swap3A_204 = tpu.vector_load %arg7[%swap3A_203] {strides = array<i32>} : memref<65536xf32, #tpu.memory_space<vmem>>, vector<16xf32>,
      tpu.vector_store %arg7[%swap3A_203], %broadcast_in_dim3A_196 {strides = array<i32>} : memref<65536xf32, #tpu.memory_space<vmem>>, vector<16xf32>,
    }
    %scan3A_38 = arith.constant 256 : i32
    %scan3A_39 = arith.constant 0 : i32
    %scan3A_40 = arith.constant 0 : i32
    %scan3A_41 = arith.constant 82 : i32
    %scan3A_42 = arith.addi %scan3A_40, %scan3A_41 : i32
    %scan3A_43 = arith.constant 1 : i32
    scf.for %scan3A_45 = %scan3A_40 to %scan3A_42 step %scan3A_43  : i32 {
      %mul3A_46 = arith.constant 2048 : i32
      %mul3A_47 = arith.muli %scan3A_45, %mul3A_46 : i32
      "tpu.region"() ({
        %run_scoped3A = tpu.sem_alloc : memref<!tpu.dma_semaphore, #tpu.memory_space<semaphore_mem>>
        %dma_start3A = tpu.memref_slice %arg3[%mul3A_47] : memref<167936xi32, #tpu.memory_space<hbm>> -> memref<2048xi32, #tpu.memory_space<hbm>>
        %dma_start3A_60 = tpu.memref_slice %arg3[%mul3A_47] : memref<167936xi32, #tpu.memory_space<hbm>> -> memref<2048xi32, #tpu.memory_space<hbm>>
        tpu.enqueue_dma source(%dma_start3A_60 : memref<2048xi32, #tpu.memory_space<hbm>>) target(%arg9 : memref<2048xi32, #tpu.memory_space<vmem>>) target_semaphore(%run_scoped3A : memref<!tpu.dma_semaphore, #tpu.memory_space<semaphore_mem>>)
        %dma_wait3A = tpu.memref_slice %arg3[%mul3A_47] : memref<167936xi32, #tpu.memory_space<hbm>> -> memref<2048xi32, #tpu.memory_space<hbm>>
        %dma_wait3A_61 = tpu.memref_slice %arg3[%mul3A_47] : memref<167936xi32, #tpu.memory_space<hbm>> -> memref<2048xi32, #tpu.memory_space<hbm>>
        tpu.wait_dma2 semaphore(%run_scoped3A : memref<!tpu.dma_semaphore, #tpu.memory_space<semaphore_mem>>) src(%dma_wait3A_61 : memref<2048xi32, #tpu.memory_space<hbm>>) dst(%arg9 : memref<2048xi32, #tpu.memory_space<vmem>>)
        tpu.yield
      }) : () -> ()
      "tpu.region"() ({
        %run_scoped3A = tpu.sem_alloc : memref<!tpu.dma_semaphore, #tpu.memory_space<semaphore_mem>>
        %dma_start3A = tpu.memref_slice %arg4[%mul3A_47] : memref<167936xi32, #tpu.memory_space<hbm>> -> memref<2048xi32, #tpu.memory_space<hbm>>
        %dma_start3A_60 = tpu.memref_slice %arg4[%mul3A_47] : memref<167936xi32, #tpu.memory_space<hbm>> -> memref<2048xi32, #tpu.memory_space<hbm>>
        tpu.enqueue_dma source(%dma_start3A_60 : memref<2048xi32, #tpu.memory_space<hbm>>) target(%arg11 : memref<2048xi32, #tpu.memory_space<vmem>>) target_semaphore(%run_scoped3A : memref<!tpu.dma_semaphore, #tpu.memory_space<semaphore_mem>>)
        %dma_wait3A = tpu.memref_slice %arg4[%mul3A_47] : memref<167936xi32, #tpu.memory_space<hbm>> -> memref<2048xi32, #tpu.memory_space<hbm>>
        %dma_wait3A_61 = tpu.memref_slice %arg4[%mul3A_47] : memref<167936xi32, #tpu.memory_space<hbm>> -> memref<2048xi32, #tpu.memory_space<hbm>>
        tpu.wait_dma2 semaphore(%run_scoped3A : memref<!tpu.dma_semaphore, #tpu.memory_space<semaphore_mem>>) src(%dma_wait3A_61 : memref<2048xi32, #tpu.memory_space<hbm>>) dst(%arg11 : memref<2048xi32, #tpu.memory_space<vmem>>)
        tpu.yield
      }) : () -> ()
      "tpu.region"() ({
        %run_scoped3A = tpu.sem_alloc : memref<!tpu.dma_semaphore, #tpu.memory_space<semaphore_mem>>
        %dma_start3A = tpu.memref_slice %arg5[%mul3A_47] : memref<167936xf32, #tpu.memory_space<hbm>> -> memref<2048xf32, #tpu.memory_space<hbm>>
        %dma_start3A_60 = tpu.memref_slice %arg5[%mul3A_47] : memref<167936xf32, #tpu.memory_space<hbm>> -> memref<2048xf32, #tpu.memory_space<hbm>>
        tpu.enqueue_dma source(%dma_start3A_60 : memref<2048xf32, #tpu.memory_space<hbm>>) target(%arg12 : memref<2048xf32, #tpu.memory_space<vmem>>) target_semaphore(%run_scoped3A : memref<!tpu.dma_semaphore, #tpu.memory_space<semaphore_mem>>)
        %dma_wait3A = tpu.memref_slice %arg5[%mul3A_47] : memref<167936xf32, #tpu.memory_space<hbm>> -> memref<2048xf32, #tpu.memory_space<hbm>>
        %dma_wait3A_61 = tpu.memref_slice %arg5[%mul3A_47] : memref<167936xf32, #tpu.memory_space<hbm>> -> memref<2048xf32, #tpu.memory_space<hbm>>
        tpu.wait_dma2 semaphore(%run_scoped3A : memref<!tpu.dma_semaphore, #tpu.memory_space<semaphore_mem>>) src(%dma_wait3A_61 : memref<2048xf32, #tpu.memory_space<hbm>>) dst(%arg12 : memref<2048xf32, #tpu.memory_space<vmem>>)
        tpu.yield
      }) : () -> ()
      %scan3A_48 = arith.constant 0 : i32
      %scan3A_49 = arith.constant 0 : i32
      %scan3A_50 = arith.constant 128 : i32
      %scan3A_51 = arith.addi %scan3A_49, %scan3A_50 : i32
      %scan3A_52 = arith.constant 1 : i32
      scf.for %scan3A_60 = %scan3A_49 to %scan3A_51 step %scan3A_52  : i32 {
        %mul3A_61 = arith.constant 16 : i32
        %mul3A_62 = arith.muli %scan3A_60, %mul3A_61 : i32
        %get3A = arith.index_cast %mul3A_62 : i32 to index
        %get3A_63 = tpu.vector_load %arg9[%get3A] {strides = array<i32>} : memref<2048xi32, #tpu.memory_space<vmem>>, vector<16xi32>,
        %add3A_64 = vector.broadcast %mul3A_2 : i32 to vector<16xi32>
        %add3A_65 = arith.addi %get3A_63, %add3A_64 : vector<16xi32>
        %swap3A = arith.index_cast %mul3A_62 : i32 to index
        %swap3A_66 = tpu.vector_load %arg10[%swap3A] {strides = array<i32>} : memref<2048xi32, #tpu.memory_space<vmem>>, vector<16xi32>,
        tpu.vector_store %arg10[%swap3A], %add3A_65 {strides = array<i32>} : memref<2048xi32, #tpu.memory_space<vmem>>, vector<16xi32>,
        %get3A_67 = arith.index_cast %mul3A_62 : i32 to index
        %get3A_68 = tpu.vector_load %arg11[%get3A_67] {strides = array<i32>} : memref<2048xi32, #tpu.memory_space<vmem>>, vector<16xi32>,
        %mul3A_69 = arith.constant 16 : i32
        %mul3A_70 = vector.broadcast %mul3A_69 : i32 to vector<16xi32>
        %mul3A_71 = arith.muli %get3A_68, %mul3A_70 : vector<16xi32>
        %swap3A_72 = arith.index_cast %mul3A_62 : i32 to index
        %swap3A_73 = tpu.vector_load %arg11[%swap3A_72] {strides = array<i32>} : memref<2048xi32, #tpu.memory_space<vmem>>, vector<16xi32>,
        tpu.vector_store %arg11[%swap3A_72], %mul3A_71 {strides = array<i32>} : memref<2048xi32, #tpu.memory_space<vmem>>, vector<16xi32>,
      }
      %scan3A_53 = arith.constant 128 : i32
      %scan3A_54 = arith.constant 0 : i32
      %scan3A_55 = arith.constant 0 : i32
      %scan3A_56 = arith.constant 128 : i32
      %scan3A_57 = arith.addi %scan3A_55, %scan3A_56 : i32
      %scan3A_58 = arith.constant 1 : i32
      scf.for %scan3A_60 = %scan3A_55 to %scan3A_57 step %scan3A_58  : i32 {
        %mul3A_61 = arith.constant 16 : i32
        %mul3A_62 = arith.muli %scan3A_60, %mul3A_61 : i32
        %get3A = arith.index_cast %mul3A_62 : i32 to index
        %get3A_63 = tpu.vector_load %arg11[%get3A] {strides = array<i32>} : memref<2048xi32, #tpu.memory_space<vmem>>, vector<16xi32>,
        %mul3A_64 = arith.constant 16 : i32
        %mul3A_65 = arith.muli %scan3A_60, %mul3A_64 : i32
        %get3A_66 = arith.index_cast %mul3A_65 : i32 to index
        %get3A_67 = tpu.vector_load %arg12[%get3A_66] {strides = array<i32>} : memref<2048xf32, #tpu.memory_space<vmem>>, vector<16xf32>,
        %mul3A_68 = arith.constant 16 : i32
        %mul3A_69 = arith.muli %scan3A_60, %mul3A_68 : i32
        %add3A_70 = arith.constant 0 : i32
        %add3A_71 = arith.addi %mul3A_69, %add3A_70 : i32
        %get3A_72 = arith.index_cast %add3A_71 : i32 to index
        %get3A_73 = arith.constant 0 : index
        %get3A_74 = tpu.vector_load %arg8[%get3A_72, %get3A_73] {strides = array<i32>} : memref<2048x16xf32, #tpu.memory_space<vmem>>, vector<16xf32>,
        %lt3A = arith.constant 0 : i32
        %lt3A_75 = vector.broadcast %lt3A : i32 to vector<16xi32>
        %lt3A_76 = arith.cmpi slt, %broadcast_in_dim3A_3, %lt3A_75 : vector<16xi32>
        %add3A_77 = arith.constant 16 : i32
        %add3A_78 = vector.broadcast %add3A_77 : i32 to vector<16xi32>
        %add3A_79 = arith.addi %broadcast_in_dim3A_3, %add3A_78 : vector<16xi32>
        %select_n3A = arith.select %lt3A_76, %add3A_79, %broadcast_in_dim3A_3 : vector<16xi1>, vector<16xi32>
        %broadcast_in_dim3A_80 = vector.shape_cast %select_n3A : vector<16xi32> to vector<16x1xi32>
        %gather3A = vector.shape_cast %broadcast_in_dim3A_80 : vector<16x1xi32> to vector<16xi32>
        %gather3A_81 = tpu.dynamic_gather %get3A_67[%gather3A] in [0] : vector<16xf32>, vector<16xi32> -> vector<16xf32>
        %mul3A_82 = arith.mulf %get3A_74, %gather3A_81 : vector<16xf32>
        %lt3A_83 = arith.constant 0 : i32
        %lt3A_84 = vector.broadcast %lt3A_83 : i32 to vector<16xi32>
        %lt3A_85 = arith.cmpi slt, %broadcast_in_dim3A_3, %lt3A_84 : vector<16xi32>
        %add3A_86 = arith.constant 16 : i32
        %add3A_87 = vector.broadcast %add3A_86 : i32 to vector<16xi32>
        %add3A_88 = arith.addi %broadcast_in_dim3A_3, %add3A_87 : vector<16xi32>
        %select_n3A_89 = arith.select %lt3A_85, %add3A_88, %broadcast_in_dim3A_3 : vector<16xi1>, vector<16xi32>
        %broadcast_in_dim3A_90 = vector.shape_cast %select_n3A_89 : vector<16xi32> to vector<16x1xi32>
        %gather3A_91 = vector.shape_cast %broadcast_in_dim3A_90 : vector<16x1xi32> to vector<16xi32>
        %gather3A_92 = tpu.dynamic_gather %get3A_63[%gather3A_91] in [0] : vector<16xi32>, vector<16xi32> -> vector<16xi32>
        %add3A_93 = arith.addi %gather3A_92, %iota3A : vector<16xi32>
        tpu.vector_store_idx %arg7[%add3A_93], %mul3A_82 {add = true} : memref<65536xf32, #tpu.memory_space<vmem>>[vector<16xi32>], vector<16xf32>,
        %mul3A_94 = arith.constant 16 : i32
        %mul3A_95 = arith.muli %scan3A_60, %mul3A_94 : i32
        %add3A_96 = arith.constant 1 : i32
        %add3A_97 = arith.addi %mul3A_95, %add3A_96 : i32
        %get3A_98 = arith.index_cast %add3A_97 : i32 to index
        %get3A_99 = arith.constant 0 : index
        %get3A_100 = tpu.vector_load %arg8[%get3A_98, %get3A_99] {strides = array<i32>} : memref<2048x16xf32, #tpu.memory_space<vmem>>, vector<16xf32>,
        %lt3A_101 = arith.constant 0 : i32
        %lt3A_102 = vector.broadcast %lt3A_101 : i32 to vector<16xi32>
        %lt3A_103 = arith.cmpi slt, %broadcast_in_dim3A_5, %lt3A_102 : vector<16xi32>
        %add3A_104 = arith.constant 16 : i32
        %add3A_105 = vector.broadcast %add3A_104 : i32 to vector<16xi32>
        %add3A_106 = arith.addi %broadcast_in_dim3A_5, %add3A_105 : vector<16xi32>
        %select_n3A_107 = arith.select %lt3A_103, %add3A_106, %broadcast_in_dim3A_5 : vector<16xi1>, vector<16xi32>
        %broadcast_in_dim3A_108 = vector.shape_cast %select_n3A_107 : vector<16xi32> to vector<16x1xi32>
        %gather3A_109 = vector.shape_cast %broadcast_in_dim3A_108 : vector<16x1xi32> to vector<16xi32>
        %gather3A_110 = tpu.dynamic_gather %get3A_67[%gather3A_109] in [0] : vector<16xf32>, vector<16xi32> -> vector<16xf32>
        %mul3A_111 = arith.mulf %get3A_100, %gather3A_110 : vector<16xf32>
        %lt3A_112 = arith.constant 0 : i32
        %lt3A_113 = vector.broadcast %lt3A_112 : i32 to vector<16xi32>
        %lt3A_114 = arith.cmpi slt, %broadcast_in_dim3A_5, %lt3A_113 : vector<16xi32>
        %add3A_115 = arith.constant 16 : i32
        %add3A_116 = vector.broadcast %add3A_115 : i32 to vector<16xi32>
        %add3A_117 = arith.addi %broadcast_in_dim3A_5, %add3A_116 : vector<16xi32>
        %select_n3A_118 = arith.select %lt3A_114, %add3A_117, %broadcast_in_dim3A_5 : vector<16xi1>, vector<16xi32>
        %broadcast_in_dim3A_119 = vector.shape_cast %select_n3A_118 : vector<16xi32> to vector<16x1xi32>
        %gather3A_120 = vector.shape_cast %broadcast_in_dim3A_119 : vector<16x1xi32> to vector<16xi32>
        %gather3A_121 = tpu.dynamic_gather %get3A_63[%gather3A_120] in [0] : vector<16xi32>, vector<16xi32> -> vector<16xi32>
        %add3A_122 = arith.addi %gather3A_121, %iota3A : vector<16xi32>
        tpu.vector_store_idx %arg7[%add3A_122], %mul3A_111 {add = true} : memref<65536xf32, #tpu.memory_space<vmem>>[vector<16xi32>], vector<16xf32>,
        %mul3A_123 = arith.constant 16 : i32
        %mul3A_124 = arith.muli %scan3A_60, %mul3A_123 : i32
        %add3A_125 = arith.constant 2 : i32
        %add3A_126 = arith.addi %mul3A_124, %add3A_125 : i32
        %get3A_127 = arith.index_cast %add3A_126 : i32 to index
        %get3A_128 = arith.constant 0 : index
        %get3A_129 = tpu.vector_load %arg8[%get3A_127, %get3A_128] {strides = array<i32>} : memref<2048x16xf32, #tpu.memory_space<vmem>>, vector<16xf32>,
        %lt3A_130 = arith.constant 0 : i32
        %lt3A_131 = vector.broadcast %lt3A_130 : i32 to vector<16xi32>
        %lt3A_132 = arith.cmpi slt, %broadcast_in_dim3A_7, %lt3A_131 : vector<16xi32>
        %add3A_133 = arith.constant 16 : i32
        %add3A_134 = vector.broadcast %add3A_133 : i32 to vector<16xi32>
        %add3A_135 = arith.addi %broadcast_in_dim3A_7, %add3A_134 : vector<16xi32>
        %select_n3A_136 = arith.select %lt3A_132, %add3A_135, %broadcast_in_dim3A_7 : vector<16xi1>, vector<16xi32>
        %broadcast_in_dim3A_137 = vector.shape_cast %select_n3A_136 : vector<16xi32> to vector<16x1xi32>
        %gather3A_138 = vector.shape_cast %broadcast_in_dim3A_137 : vector<16x1xi32> to vector<16xi32>
        %gather3A_139 = tpu.dynamic_gather %get3A_67[%gather3A_138] in [0] : vector<16xf32>, vector<16xi32> -> vector<16xf32>
        %mul3A_140 = arith.mulf %get3A_129, %gather3A_139 : vector<16xf32>
        %lt3A_141 = arith.constant 0 : i32
        %lt3A_142 = vector.broadcast %lt3A_141 : i32 to vector<16xi32>
        %lt3A_143 = arith.cmpi slt, %broadcast_in_dim3A_7, %lt3A_142 : vector<16xi32>
        %add3A_144 = arith.constant 16 : i32
        %add3A_145 = vector.broadcast %add3A_144 : i32 to vector<16xi32>
        %add3A_146 = arith.addi %broadcast_in_dim3A_7, %add3A_145 : vector<16xi32>
        %select_n3A_147 = arith.select %lt3A_143, %add3A_146, %broadcast_in_dim3A_7 : vector<16xi1>, vector<16xi32>
        %broadcast_in_dim3A_148 = vector.shape_cast %select_n3A_147 : vector<16xi32> to vector<16x1xi32>
        %gather3A_149 = vector.shape_cast %broadcast_in_dim3A_148 : vector<16x1xi32> to vector<16xi32>
        %gather3A_150 = tpu.dynamic_gather %get3A_63[%gather3A_149] in [0] : vector<16xi32>, vector<16xi32> -> vector<16xi32>
        %add3A_151 = arith.addi %gather3A_150, %iota3A : vector<16xi32>
        tpu.vector_store_idx %arg7[%add3A_151], %mul3A_140 {add = true} : memref<65536xf32, #tpu.memory_space<vmem>>[vector<16xi32>], vector<16xf32>,
        %mul3A_152 = arith.constant 16 : i32
        %mul3A_153 = arith.muli %scan3A_60, %mul3A_152 : i32
        %add3A_154 = arith.constant 3 : i32
        %add3A_155 = arith.addi %mul3A_153, %add3A_154 : i32
        %get3A_156 = arith.index_cast %add3A_155 : i32 to index
        %get3A_157 = arith.constant 0 : index
        %get3A_158 = tpu.vector_load %arg8[%get3A_156, %get3A_157] {strides = array<i32>} : memref<2048x16xf32, #tpu.memory_space<vmem>>, vector<16xf32>,
        %lt3A_159 = arith.constant 0 : i32
        %lt3A_160 = vector.broadcast %lt3A_159 : i32 to vector<16xi32>
        %lt3A_161 = arith.cmpi slt, %broadcast_in_dim3A_9, %lt3A_160 : vector<16xi32>
        %add3A_162 = arith.constant 16 : i32
        %add3A_163 = vector.broadcast %add3A_162 : i32 to vector<16xi32>
        %add3A_164 = arith.addi %broadcast_in_dim3A_9, %add3A_163 : vector<16xi32>
        %select_n3A_165 = arith.select %lt3A_161, %add3A_164, %broadcast_in_dim3A_9 : vector<16xi1>, vector<16xi32>
        %broadcast_in_dim3A_166 = vector.shape_cast %select_n3A_165 : vector<16xi32> to vector<16x1xi32>
        %gather3A_167 = vector.shape_cast %broadcast_in_dim3A_166 : vector<16x1xi32> to vector<16xi32>
        %gather3A_168 = tpu.dynamic_gather %get3A_67[%gather3A_167] in [0] : vector<16xf32>, vector<16xi32> -> vector<16xf32>
        %mul3A_169 = arith.mulf %get3A_158, %gather3A_168 : vector<16xf32>
        %lt3A_170 = arith.constant 0 : i32
        %lt3A_171 = vector.broadcast %lt3A_170 : i32 to vector<16xi32>
        %lt3A_172 = arith.cmpi slt, %broadcast_in_dim3A_9, %lt3A_171 : vector<16xi32>
        %add3A_173 = arith.constant 16 : i32
        %add3A_174 = vector.broadcast %add3A_173 : i32 to vector<16xi32>
        %add3A_175 = arith.addi %broadcast_in_dim3A_9, %add3A_174 : vector<16xi32>
        %select_n3A_176 = arith.select %lt3A_172, %add3A_175, %broadcast_in_dim3A_9 : vector<16xi1>, vector<16xi32>
        %broadcast_in_dim3A_177 = vector.shape_cast %select_n3A_176 : vector<16xi32> to vector<16x1xi32>
        %gather3A_178 = vector.shape_cast %broadcast_in_dim3A_177 : vector<16x1xi32> to vector<16xi32>
        %gather3A_179 = tpu.dynamic_gather %get3A_63[%gather3A_178] in [0] : vector<16xi32>, vector<16xi32> -> vector<16xi32>
        %add3A_180 = arith.addi %gather3A_179, %iota3A : vector<16xi32>
        tpu.vector_store_idx %arg7[%add3A_180], %mul3A_169 {add = true} : memref<65536xf32, #tpu.memory_space<vmem>>[vector<16xi32>], vector<16xf32>,
        %mul3A_181 = arith.constant 16 : i32
        %mul3A_182 = arith.muli %scan3A_60, %mul3A_181 : i32
        %add3A_183 = arith.constant 4 : i32
        %add3A_184 = arith.addi %mul3A_182, %add3A_183 : i32
        %get3A_185 = arith.index_cast %add3A_184 : i32 to index
        %get3A_186 = arith.constant 0 : index
        %get3A_187 = tpu.vector_load %arg8[%get3A_185, %get3A_186] {strides = array<i32>} : memref<2048x16xf32, #tpu.memory_space<vmem>>, vector<16xf32>,
        %lt3A_188 = arith.constant 0 : i32
        %lt3A_189 = vector.broadcast %lt3A_188 : i32 to vector<16xi32>
        %lt3A_190 = arith.cmpi slt, %broadcast_in_dim3A_11, %lt3A_189 : vector<16xi32>
        %add3A_191 = arith.constant 16 : i32
        %add3A_192 = vector.broadcast %add3A_191 : i32 to vector<16xi32>
        %add3A_193 = arith.addi %broadcast_in_dim3A_11, %add3A_192 : vector<16xi32>
        %select_n3A_194 = arith.select %lt3A_190, %add3A_193, %broadcast_in_dim3A_11 : vector<16xi1>, vector<16xi32>
        %broadcast_in_dim3A_195 = vector.shape_cast %select_n3A_194 : vector<16xi32> to vector<16x1xi32>
        %gather3A_196 = vector.shape_cast %broadcast_in_dim3A_195 : vector<16x1xi32> to vector<16xi32>
        %gather3A_197 = tpu.dynamic_gather %get3A_67[%gather3A_196] in [0] : vector<16xf32>, vector<16xi32> -> vector<16xf32>
        %mul3A_198 = arith.mulf %get3A_187, %gather3A_197 : vector<16xf32>
        %lt3A_199 = arith.constant 0 : i32
        %lt3A_200 = vector.broadcast %lt3A_199 : i32 to vector<16xi32>
        %lt3A_201 = arith.cmpi slt, %broadcast_in_dim3A_11, %lt3A_200 : vector<16xi32>
        %add3A_202 = arith.constant 16 : i32
        %add3A_203 = vector.broadcast %add3A_202 : i32 to vector<16xi32>
        %add3A_204 = arith.addi %broadcast_in_dim3A_11, %add3A_203 : vector<16xi32>
        %select_n3A_205 = arith.select %lt3A_201, %add3A_204, %broadcast_in_dim3A_11 : vector<16xi1>, vector<16xi32>
        %broadcast_in_dim3A_206 = vector.shape_cast %select_n3A_205 : vector<16xi32> to vector<16x1xi32>
        %gather3A_207 = vector.shape_cast %broadcast_in_dim3A_206 : vector<16x1xi32> to vector<16xi32>
        %gather3A_208 = tpu.dynamic_gather %get3A_63[%gather3A_207] in [0] : vector<16xi32>, vector<16xi32> -> vector<16xi32>
        %add3A_209 = arith.addi %gather3A_208, %iota3A : vector<16xi32>
        tpu.vector_store_idx %arg7[%add3A_209], %mul3A_198 {add = true} : memref<65536xf32, #tpu.memory_space<vmem>>[vector<16xi32>], vector<16xf32>,
        %mul3A_210 = arith.constant 16 : i32
        %mul3A_211 = arith.muli %scan3A_60, %mul3A_210 : i32
        %add3A_212 = arith.constant 5 : i32
        %add3A_213 = arith.addi %mul3A_211, %add3A_212 : i32
        %get3A_214 = arith.index_cast %add3A_213 : i32 to index
        %get3A_215 = arith.constant 0 : index
        %get3A_216 = tpu.vector_load %arg8[%get3A_214, %get3A_215] {strides = array<i32>} : memref<2048x16xf32, #tpu.memory_space<vmem>>, vector<16xf32>,
        %lt3A_217 = arith.constant 0 : i32
        %lt3A_218 = vector.broadcast %lt3A_217 : i32 to vector<16xi32>
        %lt3A_219 = arith.cmpi slt, %broadcast_in_dim3A_13, %lt3A_218 : vector<16xi32>
        %add3A_220 = arith.constant 16 : i32
        %add3A_221 = vector.broadcast %add3A_220 : i32 to vector<16xi32>
        %add3A_222 = arith.addi %broadcast_in_dim3A_13, %add3A_221 : vector<16xi32>
        %select_n3A_223 = arith.select %lt3A_219, %add3A_222, %broadcast_in_dim3A_13 : vector<16xi1>, vector<16xi32>
        %broadcast_in_dim3A_224 = vector.shape_cast %select_n3A_223 : vector<16xi32> to vector<16x1xi32>
        %gather3A_225 = vector.shape_cast %broadcast_in_dim3A_224 : vector<16x1xi32> to vector<16xi32>
        %gather3A_226 = tpu.dynamic_gather %get3A_67[%gather3A_225] in [0] : vector<16xf32>, vector<16xi32> -> vector<16xf32>
        %mul3A_227 = arith.mulf %get3A_216, %gather3A_226 : vector<16xf32>
        %lt3A_228 = arith.constant 0 : i32
        %lt3A_229 = vector.broadcast %lt3A_228 : i32 to vector<16xi32>
        %lt3A_230 = arith.cmpi slt, %broadcast_in_dim3A_13, %lt3A_229 : vector<16xi32>
        %add3A_231 = arith.constant 16 : i32
        %add3A_232 = vector.broadcast %add3A_231 : i32 to vector<16xi32>
        %add3A_233 = arith.addi %broadcast_in_dim3A_13, %add3A_232 : vector<16xi32>
        %select_n3A_234 = arith.select %lt3A_230, %add3A_233, %broadcast_in_dim3A_13 : vector<16xi1>, vector<16xi32>
        %broadcast_in_dim3A_235 = vector.shape_cast %select_n3A_234 : vector<16xi32> to vector<16x1xi32>
        %gather3A_236 = vector.shape_cast %broadcast_in_dim3A_235 : vector<16x1xi32> to vector<16xi32>
        %gather3A_237 = tpu.dynamic_gather %get3A_63[%gather3A_236] in [0] : vector<16xi32>, vector<16xi32> -> vector<16xi32>
        %add3A_238 = arith.addi %gather3A_237, %iota3A : vector<16xi32>
        tpu.vector_store_idx %arg7[%add3A_238], %mul3A_227 {add = true} : memref<65536xf32, #tpu.memory_space<vmem>>[vector<16xi32>], vector<16xf32>,
        %mul3A_239 = arith.constant 16 : i32
        %mul3A_240 = arith.muli %scan3A_60, %mul3A_239 : i32
        %add3A_241 = arith.constant 6 : i32
        %add3A_242 = arith.addi %mul3A_240, %add3A_241 : i32
        %get3A_243 = arith.index_cast %add3A_242 : i32 to index
        %get3A_244 = arith.constant 0 : index
        %get3A_245 = tpu.vector_load %arg8[%get3A_243, %get3A_244] {strides = array<i32>} : memref<2048x16xf32, #tpu.memory_space<vmem>>, vector<16xf32>,
        %lt3A_246 = arith.constant 0 : i32
        %lt3A_247 = vector.broadcast %lt3A_246 : i32 to vector<16xi32>
        %lt3A_248 = arith.cmpi slt, %broadcast_in_dim3A_15, %lt3A_247 : vector<16xi32>
        %add3A_249 = arith.constant 16 : i32
        %add3A_250 = vector.broadcast %add3A_249 : i32 to vector<16xi32>
        %add3A_251 = arith.addi %broadcast_in_dim3A_15, %add3A_250 : vector<16xi32>
        %select_n3A_252 = arith.select %lt3A_248, %add3A_251, %broadcast_in_dim3A_15 : vector<16xi1>, vector<16xi32>
        %broadcast_in_dim3A_253 = vector.shape_cast %select_n3A_252 : vector<16xi32> to vector<16x1xi32>
        %gather3A_254 = vector.shape_cast %broadcast_in_dim3A_253 : vector<16x1xi32> to vector<16xi32>
        %gather3A_255 = tpu.dynamic_gather %get3A_67[%gather3A_254] in [0] : vector<16xf32>, vector<16xi32> -> vector<16xf32>
        %mul3A_256 = arith.mulf %get3A_245, %gather3A_255 : vector<16xf32>
        %lt3A_257 = arith.constant 0 : i32
        %lt3A_258 = vector.broadcast %lt3A_257 : i32 to vector<16xi32>
        %lt3A_259 = arith.cmpi slt, %broadcast_in_dim3A_15, %lt3A_258 : vector<16xi32>
        %add3A_260 = arith.constant 16 : i32
        %add3A_261 = vector.broadcast %add3A_260 : i32 to vector<16xi32>
        %add3A_262 = arith.addi %broadcast_in_dim3A_15, %add3A_261 : vector<16xi32>
        %select_n3A_263 = arith.select %lt3A_259, %add3A_262, %broadcast_in_dim3A_15 : vector<16xi1>, vector<16xi32>
        %broadcast_in_dim3A_264 = vector.shape_cast %select_n3A_263 : vector<16xi32> to vector<16x1xi32>
        %gather3A_265 = vector.shape_cast %broadcast_in_dim3A_264 : vector<16x1xi32> to vector<16xi32>
        %gather3A_266 = tpu.dynamic_gather %get3A_63[%gather3A_265] in [0] : vector<16xi32>, vector<16xi32> -> vector<16xi32>
        %add3A_267 = arith.addi %gather3A_266, %iota3A : vector<16xi32>
        tpu.vector_store_idx %arg7[%add3A_267], %mul3A_256 {add = true} : memref<65536xf32, #tpu.memory_space<vmem>>[vector<16xi32>], vector<16xf32>,
        %mul3A_268 = arith.constant 16 : i32
        %mul3A_269 = arith.muli %scan3A_60, %mul3A_268 : i32
        %add3A_270 = arith.constant 7 : i32
        %add3A_271 = arith.addi %mul3A_269, %add3A_270 : i32
        %get3A_272 = arith.index_cast %add3A_271 : i32 to index
        %get3A_273 = arith.constant 0 : index
        %get3A_274 = tpu.vector_load %arg8[%get3A_272, %get3A_273] {strides = array<i32>} : memref<2048x16xf32, #tpu.memory_space<vmem>>, vector<16xf32>,
        %lt3A_275 = arith.constant 0 : i32
        %lt3A_276 = vector.broadcast %lt3A_275 : i32 to vector<16xi32>
        %lt3A_277 = arith.cmpi slt, %broadcast_in_dim3A_17, %lt3A_276 : vector<16xi32>
        %add3A_278 = arith.constant 16 : i32
        %add3A_279 = vector.broadcast %add3A_278 : i32 to vector<16xi32>
        %add3A_280 = arith.addi %broadcast_in_dim3A_17, %add3A_279 : vector<16xi32>
        %select_n3A_281 = arith.select %lt3A_277, %add3A_280, %broadcast_in_dim3A_17 : vector<16xi1>, vector<16xi32>
        %broadcast_in_dim3A_282 = vector.shape_cast %select_n3A_281 : vector<16xi32> to vector<16x1xi32>
        %gather3A_283 = vector.shape_cast %broadcast_in_dim3A_282 : vector<16x1xi32> to vector<16xi32>
        %gather3A_284 = tpu.dynamic_gather %get3A_67[%gather3A_283] in [0] : vector<16xf32>, vector<16xi32> -> vector<16xf32>
        %mul3A_285 = arith.mulf %get3A_274, %gather3A_284 : vector<16xf32>
        %lt3A_286 = arith.constant 0 : i32
        %lt3A_287 = vector.broadcast %lt3A_286 : i32 to vector<16xi32>
        %lt3A_288 = arith.cmpi slt, %broadcast_in_dim3A_17, %lt3A_287 : vector<16xi32>
        %add3A_289 = arith.constant 16 : i32
        %add3A_290 = vector.broadcast %add3A_289 : i32 to vector<16xi32>
        %add3A_291 = arith.addi %broadcast_in_dim3A_17, %add3A_290 : vector<16xi32>
        %select_n3A_292 = arith.select %lt3A_288, %add3A_291, %broadcast_in_dim3A_17 : vector<16xi1>, vector<16xi32>
        %broadcast_in_dim3A_293 = vector.shape_cast %select_n3A_292 : vector<16xi32> to vector<16x1xi32>
        %gather3A_294 = vector.shape_cast %broadcast_in_dim3A_293 : vector<16x1xi32> to vector<16xi32>
        %gather3A_295 = tpu.dynamic_gather %get3A_63[%gather3A_294] in [0] : vector<16xi32>, vector<16xi32> -> vector<16xi32>
        %add3A_296 = arith.addi %gather3A_295, %iota3A : vector<16xi32>
        tpu.vector_store_idx %arg7[%add3A_296], %mul3A_285 {add = true} : memref<65536xf32, #tpu.memory_space<vmem>>[vector<16xi32>], vector<16xf32>,
        %mul3A_297 = arith.constant 16 : i32
        %mul3A_298 = arith.muli %scan3A_60, %mul3A_297 : i32
        %add3A_299 = arith.constant 8 : i32
        %add3A_300 = arith.addi %mul3A_298, %add3A_299 : i32
        %get3A_301 = arith.index_cast %add3A_300 : i32 to index
        %get3A_302 = arith.constant 0 : index
        %get3A_303 = tpu.vector_load %arg8[%get3A_301, %get3A_302] {strides = array<i32>} : memref<2048x16xf32, #tpu.memory_space<vmem>>, vector<16xf32>,
        %lt3A_304 = arith.constant 0 : i32
        %lt3A_305 = vector.broadcast %lt3A_304 : i32 to vector<16xi32>
        %lt3A_306 = arith.cmpi slt, %broadcast_in_dim3A_19, %lt3A_305 : vector<16xi32>
        %add3A_307 = arith.constant 16 : i32
        %add3A_308 = vector.broadcast %add3A_307 : i32 to vector<16xi32>
        %add3A_309 = arith.addi %broadcast_in_dim3A_19, %add3A_308 : vector<16xi32>
        %select_n3A_310 = arith.select %lt3A_306, %add3A_309, %broadcast_in_dim3A_19 : vector<16xi1>, vector<16xi32>
        %broadcast_in_dim3A_311 = vector.shape_cast %select_n3A_310 : vector<16xi32> to vector<16x1xi32>
        %gather3A_312 = vector.shape_cast %broadcast_in_dim3A_311 : vector<16x1xi32> to vector<16xi32>
        %gather3A_313 = tpu.dynamic_gather %get3A_67[%gather3A_312] in [0] : vector<16xf32>, vector<16xi32> -> vector<16xf32>
        %mul3A_314 = arith.mulf %get3A_303, %gather3A_313 : vector<16xf32>
        %lt3A_315 = arith.constant 0 : i32
        %lt3A_316 = vector.broadcast %lt3A_315 : i32 to vector<16xi32>
        %lt3A_317 = arith.cmpi slt, %broadcast_in_dim3A_19, %lt3A_316 : vector<16xi32>
        %add3A_318 = arith.constant 16 : i32
        %add3A_319 = vector.broadcast %add3A_318 : i32 to vector<16xi32>
        %add3A_320 = arith.addi %broadcast_in_dim3A_19, %add3A_319 : vector<16xi32>
        %select_n3A_321 = arith.select %lt3A_317, %add3A_320, %broadcast_in_dim3A_19 : vector<16xi1>, vector<16xi32>
        %broadcast_in_dim3A_322 = vector.shape_cast %select_n3A_321 : vector<16xi32> to vector<16x1xi32>
        %gather3A_323 = vector.shape_cast %broadcast_in_dim3A_322 : vector<16x1xi32> to vector<16xi32>
        %gather3A_324 = tpu.dynamic_gather %get3A_63[%gather3A_323] in [0] : vector<16xi32>, vector<16xi32> -> vector<16xi32>
        %add3A_325 = arith.addi %gather3A_324, %iota3A : vector<16xi32>
        tpu.vector_store_idx %arg7[%add3A_325], %mul3A_314 {add = true} : memref<65536xf32, #tpu.memory_space<vmem>>[vector<16xi32>], vector<16xf32>,
        %mul3A_326 = arith.constant 16 : i32
        %mul3A_327 = arith.muli %scan3A_60, %mul3A_326 : i32
        %add3A_328 = arith.constant 9 : i32
        %add3A_329 = arith.addi %mul3A_327, %add3A_328 : i32
        %get3A_330 = arith.index_cast %add3A_329 : i32 to index
        %get3A_331 = arith.constant 0 : index
        %get3A_332 = tpu.vector_load %arg8[%get3A_330, %get3A_331] {strides = array<i32>} : memref<2048x16xf32, #tpu.memory_space<vmem>>, vector<16xf32>,
        %lt3A_333 = arith.constant 0 : i32
        %lt3A_334 = vector.broadcast %lt3A_333 : i32 to vector<16xi32>
        %lt3A_335 = arith.cmpi slt, %broadcast_in_dim3A_21, %lt3A_334 : vector<16xi32>
        %add3A_336 = arith.constant 16 : i32
        %add3A_337 = vector.broadcast %add3A_336 : i32 to vector<16xi32>
        %add3A_338 = arith.addi %broadcast_in_dim3A_21, %add3A_337 : vector<16xi32>
        %select_n3A_339 = arith.select %lt3A_335, %add3A_338, %broadcast_in_dim3A_21 : vector<16xi1>, vector<16xi32>
        %broadcast_in_dim3A_340 = vector.shape_cast %select_n3A_339 : vector<16xi32> to vector<16x1xi32>
        %gather3A_341 = vector.shape_cast %broadcast_in_dim3A_340 : vector<16x1xi32> to vector<16xi32>
        %gather3A_342 = tpu.dynamic_gather %get3A_67[%gather3A_341] in [0] : vector<16xf32>, vector<16xi32> -> vector<16xf32>
        %mul3A_343 = arith.mulf %get3A_332, %gather3A_342 : vector<16xf32>
        %lt3A_344 = arith.constant 0 : i32
        %lt3A_345 = vector.broadcast %lt3A_344 : i32 to vector<16xi32>
        %lt3A_346 = arith.cmpi slt, %broadcast_in_dim3A_21, %lt3A_345 : vector<16xi32>
        %add3A_347 = arith.constant 16 : i32
        %add3A_348 = vector.broadcast %add3A_347 : i32 to vector<16xi32>
        %add3A_349 = arith.addi %broadcast_in_dim3A_21, %add3A_348 : vector<16xi32>
        %select_n3A_350 = arith.select %lt3A_346, %add3A_349, %broadcast_in_dim3A_21 : vector<16xi1>, vector<16xi32>
        %broadcast_in_dim3A_351 = vector.shape_cast %select_n3A_350 : vector<16xi32> to vector<16x1xi32>
        %gather3A_352 = vector.shape_cast %broadcast_in_dim3A_351 : vector<16x1xi32> to vector<16xi32>
        %gather3A_353 = tpu.dynamic_gather %get3A_63[%gather3A_352] in [0] : vector<16xi32>, vector<16xi32> -> vector<16xi32>
        %add3A_354 = arith.addi %gather3A_353, %iota3A : vector<16xi32>
        tpu.vector_store_idx %arg7[%add3A_354], %mul3A_343 {add = true} : memref<65536xf32, #tpu.memory_space<vmem>>[vector<16xi32>], vector<16xf32>,
        %mul3A_355 = arith.constant 16 : i32
        %mul3A_356 = arith.muli %scan3A_60, %mul3A_355 : i32
        %add3A_357 = arith.constant 10 : i32
        %add3A_358 = arith.addi %mul3A_356, %add3A_357 : i32
        %get3A_359 = arith.index_cast %add3A_358 : i32 to index
        %get3A_360 = arith.constant 0 : index
        %get3A_361 = tpu.vector_load %arg8[%get3A_359, %get3A_360] {strides = array<i32>} : memref<2048x16xf32, #tpu.memory_space<vmem>>, vector<16xf32>,
        %lt3A_362 = arith.constant 0 : i32
        %lt3A_363 = vector.broadcast %lt3A_362 : i32 to vector<16xi32>
        %lt3A_364 = arith.cmpi slt, %broadcast_in_dim3A_23, %lt3A_363 : vector<16xi32>
        %add3A_365 = arith.constant 16 : i32
        %add3A_366 = vector.broadcast %add3A_365 : i32 to vector<16xi32>
        %add3A_367 = arith.addi %broadcast_in_dim3A_23, %add3A_366 : vector<16xi32>
        %select_n3A_368 = arith.select %lt3A_364, %add3A_367, %broadcast_in_dim3A_23 : vector<16xi1>, vector<16xi32>
        %broadcast_in_dim3A_369 = vector.shape_cast %select_n3A_368 : vector<16xi32> to vector<16x1xi32>
        %gather3A_370 = vector.shape_cast %broadcast_in_dim3A_369 : vector<16x1xi32> to vector<16xi32>
        %gather3A_371 = tpu.dynamic_gather %get3A_67[%gather3A_370] in [0] : vector<16xf32>, vector<16xi32> -> vector<16xf32>
        %mul3A_372 = arith.mulf %get3A_361, %gather3A_371 : vector<16xf32>
        %lt3A_373 = arith.constant 0 : i32
        %lt3A_374 = vector.broadcast %lt3A_373 : i32 to vector<16xi32>
        %lt3A_375 = arith.cmpi slt, %broadcast_in_dim3A_23, %lt3A_374 : vector<16xi32>
        %add3A_376 = arith.constant 16 : i32
        %add3A_377 = vector.broadcast %add3A_376 : i32 to vector<16xi32>
        %add3A_378 = arith.addi %broadcast_in_dim3A_23, %add3A_377 : vector<16xi32>
        %select_n3A_379 = arith.select %lt3A_375, %add3A_378, %broadcast_in_dim3A_23 : vector<16xi1>, vector<16xi32>
        %broadcast_in_dim3A_380 = vector.shape_cast %select_n3A_379 : vector<16xi32> to vector<16x1xi32>
        %gather3A_381 = vector.shape_cast %broadcast_in_dim3A_380 : vector<16x1xi32> to vector<16xi32>
        %gather3A_382 = tpu.dynamic_gather %get3A_63[%gather3A_381] in [0] : vector<16xi32>, vector<16xi32> -> vector<16xi32>
        %add3A_383 = arith.addi %gather3A_382, %iota3A : vector<16xi32>
        tpu.vector_store_idx %arg7[%add3A_383], %mul3A_372 {add = true} : memref<65536xf32, #tpu.memory_space<vmem>>[vector<16xi32>], vector<16xf32>,
        %mul3A_384 = arith.constant 16 : i32
        %mul3A_385 = arith.muli %scan3A_60, %mul3A_384 : i32
        %add3A_386 = arith.constant 11 : i32
        %add3A_387 = arith.addi %mul3A_385, %add3A_386 : i32
        %get3A_388 = arith.index_cast %add3A_387 : i32 to index
        %get3A_389 = arith.constant 0 : index
        %get3A_390 = tpu.vector_load %arg8[%get3A_388, %get3A_389] {strides = array<i32>} : memref<2048x16xf32, #tpu.memory_space<vmem>>, vector<16xf32>,
        %lt3A_391 = arith.constant 0 : i32
        %lt3A_392 = vector.broadcast %lt3A_391 : i32 to vector<16xi32>
        %lt3A_393 = arith.cmpi slt, %broadcast_in_dim3A_25, %lt3A_392 : vector<16xi32>
        %add3A_394 = arith.constant 16 : i32
        %add3A_395 = vector.broadcast %add3A_394 : i32 to vector<16xi32>
        %add3A_396 = arith.addi %broadcast_in_dim3A_25, %add3A_395 : vector<16xi32>
        %select_n3A_397 = arith.select %lt3A_393, %add3A_396, %broadcast_in_dim3A_25 : vector<16xi1>, vector<16xi32>
        %broadcast_in_dim3A_398 = vector.shape_cast %select_n3A_397 : vector<16xi32> to vector<16x1xi32>
        %gather3A_399 = vector.shape_cast %broadcast_in_dim3A_398 : vector<16x1xi32> to vector<16xi32>
        %gather3A_400 = tpu.dynamic_gather %get3A_67[%gather3A_399] in [0] : vector<16xf32>, vector<16xi32> -> vector<16xf32>
        %mul3A_401 = arith.mulf %get3A_390, %gather3A_400 : vector<16xf32>
        %lt3A_402 = arith.constant 0 : i32
        %lt3A_403 = vector.broadcast %lt3A_402 : i32 to vector<16xi32>
        %lt3A_404 = arith.cmpi slt, %broadcast_in_dim3A_25, %lt3A_403 : vector<16xi32>
        %add3A_405 = arith.constant 16 : i32
        %add3A_406 = vector.broadcast %add3A_405 : i32 to vector<16xi32>
        %add3A_407 = arith.addi %broadcast_in_dim3A_25, %add3A_406 : vector<16xi32>
        %select_n3A_408 = arith.select %lt3A_404, %add3A_407, %broadcast_in_dim3A_25 : vector<16xi1>, vector<16xi32>
        %broadcast_in_dim3A_409 = vector.shape_cast %select_n3A_408 : vector<16xi32> to vector<16x1xi32>
        %gather3A_410 = vector.shape_cast %broadcast_in_dim3A_409 : vector<16x1xi32> to vector<16xi32>
        %gather3A_411 = tpu.dynamic_gather %get3A_63[%gather3A_410] in [0] : vector<16xi32>, vector<16xi32> -> vector<16xi32>
        %add3A_412 = arith.addi %gather3A_411, %iota3A : vector<16xi32>
        tpu.vector_store_idx %arg7[%add3A_412], %mul3A_401 {add = true} : memref<65536xf32, #tpu.memory_space<vmem>>[vector<16xi32>], vector<16xf32>,
        %mul3A_413 = arith.constant 16 : i32
        %mul3A_414 = arith.muli %scan3A_60, %mul3A_413 : i32
        %add3A_415 = arith.constant 12 : i32
        %add3A_416 = arith.addi %mul3A_414, %add3A_415 : i32
        %get3A_417 = arith.index_cast %add3A_416 : i32 to index
        %get3A_418 = arith.constant 0 : index
        %get3A_419 = tpu.vector_load %arg8[%get3A_417, %get3A_418] {strides = array<i32>} : memref<2048x16xf32, #tpu.memory_space<vmem>>, vector<16xf32>,
        %lt3A_420 = arith.constant 0 : i32
        %lt3A_421 = vector.broadcast %lt3A_420 : i32 to vector<16xi32>
        %lt3A_422 = arith.cmpi slt, %broadcast_in_dim3A_27, %lt3A_421 : vector<16xi32>
        %add3A_423 = arith.constant 16 : i32
        %add3A_424 = vector.broadcast %add3A_423 : i32 to vector<16xi32>
        %add3A_425 = arith.addi %broadcast_in_dim3A_27, %add3A_424 : vector<16xi32>
        %select_n3A_426 = arith.select %lt3A_422, %add3A_425, %broadcast_in_dim3A_27 : vector<16xi1>, vector<16xi32>
        %broadcast_in_dim3A_427 = vector.shape_cast %select_n3A_426 : vector<16xi32> to vector<16x1xi32>
        %gather3A_428 = vector.shape_cast %broadcast_in_dim3A_427 : vector<16x1xi32> to vector<16xi32>
        %gather3A_429 = tpu.dynamic_gather %get3A_67[%gather3A_428] in [0] : vector<16xf32>, vector<16xi32> -> vector<16xf32>
        %mul3A_430 = arith.mulf %get3A_419, %gather3A_429 : vector<16xf32>
        %lt3A_431 = arith.constant 0 : i32
        %lt3A_432 = vector.broadcast %lt3A_431 : i32 to vector<16xi32>
        %lt3A_433 = arith.cmpi slt, %broadcast_in_dim3A_27, %lt3A_432 : vector<16xi32>
        %add3A_434 = arith.constant 16 : i32
        %add3A_435 = vector.broadcast %add3A_434 : i32 to vector<16xi32>
        %add3A_436 = arith.addi %broadcast_in_dim3A_27, %add3A_435 : vector<16xi32>
        %select_n3A_437 = arith.select %lt3A_433, %add3A_436, %broadcast_in_dim3A_27 : vector<16xi1>, vector<16xi32>
        %broadcast_in_dim3A_438 = vector.shape_cast %select_n3A_437 : vector<16xi32> to vector<16x1xi32>
        %gather3A_439 = vector.shape_cast %broadcast_in_dim3A_438 : vector<16x1xi32> to vector<16xi32>
        %gather3A_440 = tpu.dynamic_gather %get3A_63[%gather3A_439] in [0] : vector<16xi32>, vector<16xi32> -> vector<16xi32>
        %add3A_441 = arith.addi %gather3A_440, %iota3A : vector<16xi32>
        tpu.vector_store_idx %arg7[%add3A_441], %mul3A_430 {add = true} : memref<65536xf32, #tpu.memory_space<vmem>>[vector<16xi32>], vector<16xf32>,
        %mul3A_442 = arith.constant 16 : i32
        %mul3A_443 = arith.muli %scan3A_60, %mul3A_442 : i32
        %add3A_444 = arith.constant 13 : i32
        %add3A_445 = arith.addi %mul3A_443, %add3A_444 : i32
        %get3A_446 = arith.index_cast %add3A_445 : i32 to index
        %get3A_447 = arith.constant 0 : index
        %get3A_448 = tpu.vector_load %arg8[%get3A_446, %get3A_447] {strides = array<i32>} : memref<2048x16xf32, #tpu.memory_space<vmem>>, vector<16xf32>,
        %lt3A_449 = arith.constant 0 : i32
        %lt3A_450 = vector.broadcast %lt3A_449 : i32 to vector<16xi32>
        %lt3A_451 = arith.cmpi slt, %broadcast_in_dim3A_29, %lt3A_450 : vector<16xi32>
        %add3A_452 = arith.constant 16 : i32
        %add3A_453 = vector.broadcast %add3A_452 : i32 to vector<16xi32>
        %add3A_454 = arith.addi %broadcast_in_dim3A_29, %add3A_453 : vector<16xi32>
        %select_n3A_455 = arith.select %lt3A_451, %add3A_454, %broadcast_in_dim3A_29 : vector<16xi1>, vector<16xi32>
        %broadcast_in_dim3A_456 = vector.shape_cast %select_n3A_455 : vector<16xi32> to vector<16x1xi32>
        %gather3A_457 = vector.shape_cast %broadcast_in_dim3A_456 : vector<16x1xi32> to vector<16xi32>
        %gather3A_458 = tpu.dynamic_gather %get3A_67[%gather3A_457] in [0] : vector<16xf32>, vector<16xi32> -> vector<16xf32>
        %mul3A_459 = arith.mulf %get3A_448, %gather3A_458 : vector<16xf32>
        %lt3A_460 = arith.constant 0 : i32
        %lt3A_461 = vector.broadcast %lt3A_460 : i32 to vector<16xi32>
        %lt3A_462 = arith.cmpi slt, %broadcast_in_dim3A_29, %lt3A_461 : vector<16xi32>
        %add3A_463 = arith.constant 16 : i32
        %add3A_464 = vector.broadcast %add3A_463 : i32 to vector<16xi32>
        %add3A_465 = arith.addi %broadcast_in_dim3A_29, %add3A_464 : vector<16xi32>
        %select_n3A_466 = arith.select %lt3A_462, %add3A_465, %broadcast_in_dim3A_29 : vector<16xi1>, vector<16xi32>
        %broadcast_in_dim3A_467 = vector.shape_cast %select_n3A_466 : vector<16xi32> to vector<16x1xi32>
        %gather3A_468 = vector.shape_cast %broadcast_in_dim3A_467 : vector<16x1xi32> to vector<16xi32>
        %gather3A_469 = tpu.dynamic_gather %get3A_63[%gather3A_468] in [0] : vector<16xi32>, vector<16xi32> -> vector<16xi32>
        %add3A_470 = arith.addi %gather3A_469, %iota3A : vector<16xi32>
        tpu.vector_store_idx %arg7[%add3A_470], %mul3A_459 {add = true} : memref<65536xf32, #tpu.memory_space<vmem>>[vector<16xi32>], vector<16xf32>,
        %mul3A_471 = arith.constant 16 : i32
        %mul3A_472 = arith.muli %scan3A_60, %mul3A_471 : i32
        %add3A_473 = arith.constant 14 : i32
        %add3A_474 = arith.addi %mul3A_472, %add3A_473 : i32
        %get3A_475 = arith.index_cast %add3A_474 : i32 to index
        %get3A_476 = arith.constant 0 : index
        %get3A_477 = tpu.vector_load %arg8[%get3A_475, %get3A_476] {strides = array<i32>} : memref<2048x16xf32, #tpu.memory_space<vmem>>, vector<16xf32>,
        %lt3A_478 = arith.constant 0 : i32
        %lt3A_479 = vector.broadcast %lt3A_478 : i32 to vector<16xi32>
        %lt3A_480 = arith.cmpi slt, %broadcast_in_dim3A_31, %lt3A_479 : vector<16xi32>
        %add3A_481 = arith.constant 16 : i32
        %add3A_482 = vector.broadcast %add3A_481 : i32 to vector<16xi32>
        %add3A_483 = arith.addi %broadcast_in_dim3A_31, %add3A_482 : vector<16xi32>
        %select_n3A_484 = arith.select %lt3A_480, %add3A_483, %broadcast_in_dim3A_31 : vector<16xi1>, vector<16xi32>
        %broadcast_in_dim3A_485 = vector.shape_cast %select_n3A_484 : vector<16xi32> to vector<16x1xi32>
        %gather3A_486 = vector.shape_cast %broadcast_in_dim3A_485 : vector<16x1xi32> to vector<16xi32>
        %gather3A_487 = tpu.dynamic_gather %get3A_67[%gather3A_486] in [0] : vector<16xf32>, vector<16xi32> -> vector<16xf32>
        %mul3A_488 = arith.mulf %get3A_477, %gather3A_487 : vector<16xf32>
        %lt3A_489 = arith.constant 0 : i32
        %lt3A_490 = vector.broadcast %lt3A_489 : i32 to vector<16xi32>
        %lt3A_491 = arith.cmpi slt, %broadcast_in_dim3A_31, %lt3A_490 : vector<16xi32>
        %add3A_492 = arith.constant 16 : i32
        %add3A_493 = vector.broadcast %add3A_492 : i32 to vector<16xi32>
        %add3A_494 = arith.addi %broadcast_in_dim3A_31, %add3A_493 : vector<16xi32>
        %select_n3A_495 = arith.select %lt3A_491, %add3A_494, %broadcast_in_dim3A_31 : vector<16xi1>, vector<16xi32>
        %broadcast_in_dim3A_496 = vector.shape_cast %select_n3A_495 : vector<16xi32> to vector<16x1xi32>
        %gather3A_497 = vector.shape_cast %broadcast_in_dim3A_496 : vector<16x1xi32> to vector<16xi32>
        %gather3A_498 = tpu.dynamic_gather %get3A_63[%gather3A_497] in [0] : vector<16xi32>, vector<16xi32> -> vector<16xi32>
        %add3A_499 = arith.addi %gather3A_498, %iota3A : vector<16xi32>
        tpu.vector_store_idx %arg7[%add3A_499], %mul3A_488 {add = true} : memref<65536xf32, #tpu.memory_space<vmem>>[vector<16xi32>], vector<16xf32>,
        %mul3A_500 = arith.constant 16 : i32
        %mul3A_501 = arith.muli %scan3A_60, %mul3A_500 : i32
        %add3A_502 = arith.constant 15 : i32
        %add3A_503 = arith.addi %mul3A_501, %add3A_502 : i32
        %get3A_504 = arith.index_cast %add3A_503 : i32 to index
        %get3A_505 = arith.constant 0 : index
        %get3A_506 = tpu.vector_load %arg8[%get3A_504, %get3A_505] {strides = array<i32>} : memref<2048x16xf32, #tpu.memory_space<vmem>>, vector<16xf32>,
        %lt3A_507 = arith.constant 0 : i32
        %lt3A_508 = vector.broadcast %lt3A_507 : i32 to vector<16xi32>
        %lt3A_509 = arith.cmpi slt, %broadcast_in_dim3A_33, %lt3A_508 : vector<16xi32>
        %add3A_510 = arith.constant 16 : i32
        %add3A_511 = vector.broadcast %add3A_510 : i32 to vector<16xi32>
        %add3A_512 = arith.addi %broadcast_in_dim3A_33, %add3A_511 : vector<16xi32>
        %select_n3A_513 = arith.select %lt3A_509, %add3A_512, %broadcast_in_dim3A_33 : vector<16xi1>, vector<16xi32>
        %broadcast_in_dim3A_514 = vector.shape_cast %select_n3A_513 : vector<16xi32> to vector<16x1xi32>
        %gather3A_515 = vector.shape_cast %broadcast_in_dim3A_514 : vector<16x1xi32> to vector<16xi32>
        %gather3A_516 = tpu.dynamic_gather %get3A_67[%gather3A_515] in [0] : vector<16xf32>, vector<16xi32> -> vector<16xf32>
        %mul3A_517 = arith.mulf %get3A_506, %gather3A_516 : vector<16xf32>
        %lt3A_518 = arith.constant 0 : i32
        %lt3A_519 = vector.broadcast %lt3A_518 : i32 to vector<16xi32>
        %lt3A_520 = arith.cmpi slt, %broadcast_in_dim3A_33, %lt3A_519 : vector<16xi32>
        %add3A_521 = arith.constant 16 : i32
        %add3A_522 = vector.broadcast %add3A_521 : i32 to vector<16xi32>
        %add3A_523 = arith.addi %broadcast_in_dim3A_33, %add3A_522 : vector<16xi32>
        %select_n3A_524 = arith.select %lt3A_520, %add3A_523, %broadcast_in_dim3A_33 : vector<16xi1>, vector<16xi32>
        %broadcast_in_dim3A_525 = vector.shape_cast %select_n3A_524 : vector<16xi32> to vector<16x1xi32>
        %gather3A_526 = vector.shape_cast %broadcast_in_dim3A_525 : vector<16x1xi32> to vector<16xi32>
        %gather3A_527 = tpu.dynamic_gather %get3A_63[%gather3A_526] in [0] : vector<16xi32>, vector<16xi32> -> vector<16xi32>
        %add3A_528 = arith.addi %gather3A_527, %iota3A : vector<16xi32>
        tpu.vector_store_idx %arg7[%add3A_528], %mul3A_517 {add = true} : memref<65536xf32, #tpu.memory_space<vmem>>[vector<16xi32>], vector<16xf32>,
      }
      %scan3A_59 = arith.constant 128 : i32
    }
    %scan3A_44 = arith.constant 82 : i32
    "tpu.region"() ({
      %run_scoped3A = tpu.sem_alloc : memref<!tpu.dma_semaphore, #tpu.memory_space<semaphore_mem>>
      %dma_start3A = arith.constant 0 : i32
      %dma_start3A_45 = tpu.memref_slice %arg6[%arg0, %arg1, %dma_start3A] : memref<2x16x65536xf32, #tpu.memory_space<hbm>> -> memref<1x1x65536xf32, #tpu.memory_space<hbm>>
      %dma_start3A_46 = tpu.memref_squeeze %dma_start3A_45 : memref<1x1x65536xf32, #tpu.memory_space<hbm>> -> memref<65536xf32, #tpu.memory_space<hbm>>
      %dma_start3A_47 = arith.constant 0 : i32
      %dma_start3A_48 = tpu.memref_slice %arg6[%arg0, %arg1, %dma_start3A_47] : memref<2x16x65536xf32, #tpu.memory_space<hbm>> -> memref<1x1x65536xf32, #tpu.memory_space<hbm>>
      %dma_start3A_49 = tpu.memref_squeeze %dma_start3A_48 : memref<1x1x65536xf32, #tpu.memory_space<hbm>> -> memref<65536xf32, #tpu.memory_space<hbm>>
      tpu.enqueue_dma source(%arg7 : memref<65536xf32, #tpu.memory_space<vmem>>) target(%dma_start3A_49 : memref<65536xf32, #tpu.memory_space<hbm>>) target_semaphore(%run_scoped3A : memref<!tpu.dma_semaphore, #tpu.memory_space<semaphore_mem>>)
      %dma_wait3A = arith.constant 0 : i32
      %dma_wait3A_50 = tpu.memref_slice %arg6[%arg0, %arg1, %dma_wait3A] : memref<2x16x65536xf32, #tpu.memory_space<hbm>> -> memref<1x1x65536xf32, #tpu.memory_space<hbm>>
      %dma_wait3A_51 = tpu.memref_squeeze %dma_wait3A_50 : memref<1x1x65536xf32, #tpu.memory_space<hbm>> -> memref<65536xf32, #tpu.memory_space<hbm>>
      %dma_wait3A_52 = arith.constant 0 : i32
      %dma_wait3A_53 = tpu.memref_slice %arg6[%arg0, %arg1, %dma_wait3A_52] : memref<2x16x65536xf32, #tpu.memory_space<hbm>> -> memref<1x1x65536xf32, #tpu.memory_space<hbm>>
      %dma_wait3A_54 = tpu.memref_squeeze %dma_wait3A_53 : memref<1x1x65536xf32, #tpu.memory_space<hbm>> -> memref<65536xf32, #tpu.memory_space<hbm>>
      tpu.wait_dma2 semaphore(%run_scoped3A : memref<!tpu.dma_semaphore, #tpu.memory_space<semaphore_mem>>) src(%arg7 : memref<65536xf32, #tpu.memory_space<vmem>>) dst(%dma_wait3A_54 : memref<65536xf32, #tpu.memory_space<hbm>>)
      tpu.yield
    }) : () -> ()
    return
  }
}

</mosaic_0001>

<sc_bundles>
// kernel: kernel.3.cloned.1.call-start
scs
__scs_entry_jumppad:
0x0: {  	(pc) =	sbr.rel $0x88, $3  }
0x1: {  	(tag) =	ssettag $0x0;
	lr =	simm.s32 $0x1  }
0x2: {  	[smem:$0x3F9E] =	sst lr;
	_ =	strace $0xD0000000  }
0x3: {  	_ = 	snop  }
0x4: {  	_ = 	snop  }
0x5: {  	_ = 	snop  }
0x6: {  	_ = 	snop  }
0x7: {  	_ = 	snop  }
__scs_overlays_trampoline_lowered:
0x8: {  	[smem:$0x3FAD] =	sst s0  }
0x9: {  	[smem:$0x3FAE] =	sst s1  }
0xa: {  	[smem:$0x3FAF] =	sst s2  }
0xb: {  	[smem:$0x3FB0] =	sst s3  }
0xc: {  	[smem:$0x3FB1] =	sst s4  }
0xd: {  	[smem:$0x3FB2] =	sst s5  }
0xe: {  	[smem:$0x3FB3] =	sst s6  }
0xf: {  	[smem:$0x3FB4] =	sst s7  }
0x10: {  	[smem:$0x3FB5] =	sst s8  }
0x11: {  	[smem:$0x3FB6] =	sst s9;
	s0 =	simm.s32 @!p0 $0x0  }
0x12: {  	s1 =	sld [smem:$0x3F9C];
	s0 =	simm.s32 @p0 $0x1  }
0x13: {  	[smem:$0x3FB7] =	sst s0;
	s0 =	simm.s32 @!p1 $0x0  }
0x14: {  	s2 =	sld [smem:$0x3F9B];
	s0 =	simm.s32 @p1 $0x1  }
0x15: {  	[smem:$0x3FB8] =	sst s0;
	s0 =	simm.s32 @!p2 $0x0  }
0x16: {  	s3 =	sld [smem:$0x3FDB];
	s0 =	simm.s32 @p2 $0x1  }
0x17: {  	s4 =	simm.s32 $0x1BF5;
	[smem:$0x3FBA] =	sst s0  }
0x18: {  	s0 =	sld [smem:$0x3F9D];
	_ =	swait.ge [sflag:s4], $0x0  }
0x19: {  	s7 =	sld [smem:$0x3F9E]  }
0x1a: {  	s8 =	sadd.s32 $0xFFFFE003, lr  }
0x1b: {  	s9 =	sadd.s32 $0xFFFFFEF7, lr;
	s5 =	simm.s32 $0xFFFFFFFF;
	p2 =	slt.u32 s8, $0xFFFFF086  }
0x1c: {  	p1 =	slt.u32 s9, $0xF7A;
	s5 =	simm.s32 @!p2 $0x0  }
0x1d: {  	s5 =	simm.s32 @p1 $0x1;
	p0 =	seq.s32 s7, s2  }
0x1e: {  	s7 =	smul.u32 @!p0 $0xF7A, s2;
	p2 =	seq.s32 @!p0 s5, $0x0  }
0x1f: {  	s9 =	smul.u32 $0xF7A, s1;
	s8 =	simm.s32 @!p0 $0x1BF5;
	p2 =	por !p2, p0  }
0x20: {  	[sflag:s8] =	ssyncset.s32 @!p0 $0xFFFFF086;
	s6 =	sadd.s32 @!p0 s3, s7;
	s7 =	simm.s32 @!p0 $0x108  }
0x21: {  	s3 =	sadd.s32 s3, s9;
	s6 =	sadd.s32 @!p0 $0x88, s6;
	s7 =	simm.s32 @p2 $0x1082  }
0x22: {  	[simem:s7], [sflag:s8] =	dma.local @!p0 [hbm:s6], $0xF7A  }
0x23: {  	s9 =	sor.u32 $0xD0000000, s2;
	s6 =	simm.s32 $0x108;
	_ =	swait.ge @!p0 [sflag:s8], $0x0  }
0x24: {  	s3 =	sadd.s32 $0x88, s3;
	s6 =	simm.s32 @!p1 $0x1082;
	[sflag:s4] =	ssyncset.s32 $0xFFFFF086  }
0x25: {  	[simem:s6], [sflag:s4] =	dma.local [hbm:s3], $0xF7A  }
0x26: {  	[smem:$0x3F9E] =	sst s1;
	(tag) =	ssettag s2;
	_ =	strace s9  }
0x27: {  	s1 =	sld [smem:$0x3FAE]  }
0x28: {  	s2 =	sld [smem:$0x3FAF]  }
0x29: {  	s4 =	sld [smem:$0x3FB1]  }
0x2a: {  	p0 =	seq.s32 s5, $0x0;
	s5 =	sld [smem:$0x3FB2]  }
0x2b: {  	s6 =	sld [smem:$0x3FB3]  }
0x2c: {  	s7 =	sld [smem:$0x3FB4]  }
0x2d: {  	s3 =	simm.s32 $0x108;
	s8 =	sld [smem:$0x3FB5]  }
0x2e: {  	s3 =	simm.s32 @!p0 $0x1082;
	s9 =	sld [smem:$0x3FB6]  }
0x2f: {  	lr =	sadd.s32 s0, s3;
	s0 =	sld [smem:$0x3FAD]  }
0x30: {  	s3 =	sld [smem:$0x3FB0]  }
0x31: {  	[smem:$0x3FB9] =	sst s10  }
0x32: {  	s10 =	sld [smem:$0x3FB7];
	_ =	sdelay $0x3  }
0x33: {  	p0 =	seq.s32 s10, $0x1;
	s10 =	sld [smem:$0x3FB9];
	_ =	sdelay $0x3  }
0x34: {  	[smem:$0x3FB9] =	sst s10  }
0x35: {  	s10 =	sld [smem:$0x3FB8];
	_ =	sdelay $0x3  }
0x36: {  	p1 =	seq.s32 s10, $0x1;
	s10 =	sld [smem:$0x3FB9];
	_ =	sdelay $0x3  }
0x37: {  	[smem:$0x3FB9] =	sst s10  }
0x38: {  	s10 =	sld [smem:$0x3FBA]  }
0x39: {  	_ = 	snop;
	(pc) =	sbr.ind lr, $3  }
0x3a: {  	_ = 	snop  }
0x3b: {  	_ = 	snop  }
0x3c: {  	p2 =	seq.s32 s10, $0x1;
	s10 =	sld [smem:$0x3FB9]  }
0x3d: {  	_ =	shalt  }
0x3e: {  	_ =	shalt  }
0x3f: {  	_ =	shalt  }
0x40: {  	_ =	shalt  }
0x41: {  	_ =	shalt  }
0x42: {  	_ =	shalt  }
0x43: {  	_ =	shalt  }
0x44: {  	_ =	shalt  }
0x45: {  	_ =	shalt  }
0x46: {  	_ =	shalt  }
0x47: {  	_ =	shalt  }
0x48: {  	_ =	shalt  }
0x49: {  	_ =	shalt  }
0x4a: {  	_ =	shalt  }
0x4b: {  	_ =	shalt  }
0x4c: {  	_ =	shalt  }
0x4d: {  	_ =	shalt  }
0x4e: {  	_ =	shalt  }
0x4f: {  	_ =	shalt  }
0x50: {  	_ =	shalt  }
0x51: {  	_ =	shalt  }
0x52: {  	_ =	shalt  }
0x53: {  	_ =	shalt  }
0x54: {  	_ =	shalt  }
0x55: {  	_ =	shalt  }
0x56: {  	_ =	shalt  }
0x57: {  	_ =	shalt  }
0x58: {  	_ =	shalt  }
0x59: {  	_ =	shalt  }
0x5a: {  	_ =	shalt  }
0x5b: {  	_ =	shalt  }
0x5c: {  	_ =	shalt  }
0x5d: {  	_ =	shalt  }
0x5e: {  	_ =	shalt  }
0x5f: {  	_ =	shalt  }
0x60: {  	_ =	shalt  }
0x61: {  	_ =	shalt  }
0x62: {  	_ =	shalt  }
0x63: {  	_ =	shalt  }
0x64: {  	_ =	shalt  }
0x65: {  	_ =	shalt  }
0x66: {  	_ =	shalt  }
0x67: {  	_ =	shalt  }
0x68: {  	_ =	shalt  }
0x69: {  	_ =	shalt  }
0x6a: {  	_ =	shalt  }
0x6b: {  	_ =	shalt  }
0x6c: {  	_ =	shalt  }
0x6d: {  	_ =	shalt  }
0x6e: {  	_ =	shalt  }
0x6f: {  	_ =	shalt  }
0x70: {  	_ =	shalt  }
0x71: {  	_ =	shalt  }
0x72: {  	_ =	shalt  }
0x73: {  	_ =	shalt  }
0x74: {  	_ =	shalt  }
0x75: {  	_ =	shalt  }
0x76: {  	_ =	shalt  }
0x77: {  	_ =	shalt  }
0x78: {  	_ =	shalt  }
0x79: {  	_ =	shalt  }
0x7a: {  	_ =	shalt  }
0x7b: {  	_ =	shalt  }
0x7c: {  	_ =	shalt  }
0x7d: {  	_ =	shalt  }
0x7e: {  	_ =	shalt  }
0x7f: {  	_ =	shalt  }
0x80: {  	_ =	shalt  }
0x81: {  	_ =	shalt  }
0x82: {  	_ =	shalt  }
0x83: {  	_ =	shalt  }
0x84: {  	_ =	shalt  }
0x85: {  	_ =	shalt  }
0x86: {  	_ =	shalt  }
0x87: {  	_ =	shalt  }
.Lfunc_end0:
.L_simem_size_0:
called_computation_lowered:
.L_overlay_start_0:
0x88: {  	s2 =	sld [smem:$0x3FD9]  }
0x89: {  	s3 =	sld [smem:$0x3FFE];
	_ =	sdelay $0x1  }
0x8a: {  	s1 =	srdreg.scid  }
0x8b: {  	s0 =	sand.u32 $0x1, s1  }
0x8c: {  	s16 =	sshll.u32 s0, $0xA;
	s2 =	sadd.s32 s3, s2  }
0x8d: {  	s2 =	sadd.s32 s2, s16  }
0x8e: {  	[smem:$0x3FC5] =	sst s2  }
0x8f: {  	_ = 	snop  }
0x90: {  	(tm) =	ssettm $0x1  }
0x91: {  	s17 =	sld [smem:$0x3FFB];
	_ =	sdelay $0x3  }
0x92: {  	_ =	strace s17  }
0x93: {  	s2 =	sld [smem:$0x3FFC];
	_ =	sdelay $0x3  }
0x94: {  	_ =	strace s2  }
0x95: {  	s2 =	sld [smem:$0x3FFD];
	_ =	sdelay $0x3  }
0x96: {  	_ =	strace s2  }
0x97: {  	_ =	strace $0x8FFFFFFF  }
0x98: {  	s18 =	sld [smem:$0x3FDB];
	_ =	sdelay $0x1  }
0x99: {  	s19 =	simm.s32 $_scs_section_size  }
0x9a: {  	s4 =	simm.s32 $_size__tile_overlayer_lowered;
	s5 =	simm.s32 $_tile_overlayer_lowered  }
0x9b: {  	s22 =	simm.s32 $0x1BFF;
	s21 =	sshll.u32 s5, $0x1;
	s2 =	sadd.s32 s19, s18  }
0x9c: {  	s6 =	simm.s32 $0x0;
	s20 =	sshll.u32 s4, $0x1;
	s4 =	sadd.s32 s21, s2  }
0x9d: {  	[timem:s6], [sflag:s22] =	dma.local [hbm:s4], s20  }
0x9e: {  	_ =	swait.ge [sflag:s22], s20  }
0x9f: {  	s3 =	ssub.s32 $0x0, s20;
	[sflag:s22] =	ssyncset.done $0x0  }
0xa0: {  	[sflag:s22] =	ssyncadd.s32 s3;
	_ =	sdelay $0x1  }
0xa1: {  	s23 =	simm.s32 $0x1B8B  }
0xa2: {  	_ =	swait.ge [sflag:s23], $0x1  }
0xa3: {  	[sflag:s23] =	ssyncset.done $0x0  }
0xa4: {  	s25 =	simm.s32 $0x1B8E;
	s24 =	sld [smem:$0x3FFE];
	[sflag:s23] =	ssyncadd.s32 $0xFFFFFFFF  }
0xa5: {  	s26 =	simm.s32 $execute0_lowered;
	[smem:$0x3FD2] =	sst s25  }
0xa6: {  	s4 =	sshll.u32 s26, $0x1;
	_ =	strace $0x80000046;
	[dreg:$0x1] =	wrdreg $0xFFFFFFFF  }
0xa7: {  	s28 =	simm.s32 $_size_execute0_lowered;
	s2 =	sadd.s32 s2, s4;
	[dreg:$0x0] =	wrdreg $0x0  }
0xa8: {  	s4 =	sshll.u32 s28, $0x1;
	[dreg:$0x2] =	wrdreg s2  }
0xa9: {  	[dreg:$0x3] =	wrdreg s4  }
0xaa: {  	[dreg:$0x4] =	wrdreg $0xC0  }
0xab: {  	_ =	task [dreg:s6], $0x5FFFF  }
0xac: {  	[dreg:$0x1] =	wrdreg $0xFFFFFFFF  }
0xad: {  	[dreg:$0x0] =	wrdreg $0x60  }
0xae: {  	[dreg:$0x2] =	wrdreg s24  }
0xaf: {  	[dreg:$0x3] =	wrdreg $0x9  }
0xb0: {  	_ =	task.clear_ibuf [dreg:s6], $0x4FFFF;
	_ =	strace $0x90000046  }
0xb1: {  	s29 =	simm.s32 $0x9;
	_ =	strace $0x80000048  }
0xb2: {  	_ =	swait.ge [sflag:s29], $0x1  }
0xb3: {  	[sflag:s29] =	ssyncadd.s32 $0xFFFFFFFF  }
0xb4: {  	_ =	strace $0x90000048  }
0xb5: {  	_ =	sfence  }
0xb6: {  	s30 =	sld [smem:$0x0];
	_ =	sdelay $0x2  }
0xb7: {  	s31 =	sshll.u32 s1, $0xD;
	s1 =	sshrl.u32 s1, $0x2  }
0xb8: {  	s3 =	sand.u32 $0x4000, s31;
	s1 =	sadd.s32 s1, s30  }
0xb9: {  	s0 =	sor.u32 s3, s0;
	s1 =	sshll.u32 s1, $0x11  }
0xba: {  	s0 =	sor.u32 s1, s0  }
0xbb: {  	s0 =	sadd.s32 $0x8F2B, s0  }
0xbc: {  	[sflag:s0] =	ssyncadd.remote.s32 $0x1  }
0xbd: {  	_ =	sfence.sel $0xFFFF  }
0xbe: {  	[dreg:$0x0] =	wrdreg $0xFFFFFFFF;
	(pc) =	sbr.abs _section_cstart, $3  }
0xbf: {  	[dreg:$0x1] =	wrdreg $0xFFFFFFFF  }
0xc0: {  	_ =	task.clear_ibuf [dreg:s6], $0x2FFFF;
	_ =	strace $0x9FFFFFFF  }
0xc1: {  	(tm) =	ssettm $0x7FFFFFFF  }
tec
execute0_lowered:
.L_overlay_start_1:
0x0: {  	(tag) =	ssettag $0x1  }
0x1: {  	s1 =	srdreg.scid  }
0x2: {  	s0 =	stileid.u32;
	s2 =	rddreg [dreg:$0x0]  }
0x3: {  	s3 =	simm.s32 $0x0;
	s9 =	simm.s32 $0x1;
	s10 =	simm.s32 $0x19000  }
0x4: {  	v1 =	vimm.f32 $0.0e+00;
	s11 =	simm.s32 $0x19800;
	s4 =	sand.u32 $0x1, s1;
	s1 =	rddreg [dreg:$0x1]  }
0x5: {  	v2 =	vimm.s32 $0x0;
	v3 =	vlaneseq.u32;
	v4 =	vimm.s32 $0x1;
	s12 =	simm.s32 $0x0;
	s6 =	sshll.u32 s0, $0xC;
	[smem:$0x7FF] =	sst s3  }
0x6: {  	v5 =	vimm.s32 $0x2;
	v6 =	vimm.s32 $0x3;
	v7 =	vimm.s32 $0x4;
	s30 =	sshll.u32 s0, $0xD;
	s5 =	sshll.u32 s4, $0x10;
	_ =	strace $0x80000047  }
0x7: {  	v8 =	vimm.s32 $0x5;
	v9 =	vimm.s32 $0x6;
	v10 =	vimm.s32 $0x7;
	s31 =	ssub.s32 $0x2, s4;
	s7 =	sshll.u32 s4, $0x11;
	s5 =	sor.u32 s6, s5  }
0x8: {  	v11 =	vimm.s32 $0x8;
	v12 =	vimm.s32 $0x9;
	s4 =	sadd.s32 $0x5200, s2;
	s8 =	sshrl.u32 s31, $0x1;
	v0 =	vmov s5;
	s5 =	sadd.s32 s30, s2  }
0x9: {  	v13 =	vimm.s32 $0xA;
	v14 =	vimm.s32 $0xB;
	v15 =	vimm.s32 $0xC;
	s8 =	ssub.s32 s31, s8;
	s7 =	sadd.s32 s7, s5;
	s5 =	sadd.s32 $0xA400, s2  }
0xa: {  	v16 =	vimm.s32 $0xD;
	v17 =	vimm.s32 $0xE;
	v18 =	vimm.s32 $0xF;
	s6 =	sadd.s32 $0xF600, s7;
	s7 =	smax.u32 s8, $0x1;
	s8 =	simm.s32 $0x18000  }
.LBB2_1:
0xb: {  	s14 =	simm.s32 $0x0;
	s13 =	simm.s32 $0x400  }
.LBB2_2:
0xc: {  	p0 =	sne.s32 s13, $0x3FC00;
	[tilespmem:s14+$0xF0] =	vst v1  }
0xd: {  	[tilespmem:s14+$0x0] =	vst v1  }
0xe: {  	[tilespmem:s14+$0x10] =	vst v1  }
0xf: {  	[tilespmem:s14+$0x20] =	vst v1  }
0x10: {  	[tilespmem:s14+$0x30] =	vst v1  }
0x11: {  	[tilespmem:s14+$0x40] =	vst v1  }
0x12: {  	[tilespmem:s14+$0x50] =	vst v1  }
0x13: {  	[tilespmem:s14+$0x60] =	vst v1  }
0x14: {  	[tilespmem:s14+$0x70] =	vst v1  }
0x15: {  	[tilespmem:s14+$0x80] =	vst v1  }
0x16: {  	[tilespmem:s14+$0x90] =	vst v1  }
.Ltmp0:
0x17: {  	[tilespmem:s14+$0xA0] =	vst v1;
	(pc) =	sbr.rel @p0 .LBB2_2-.Ltmp0, $4  }
0x18: {  	[tilespmem:s14+$0xB0] =	vst v1  }
0x19: {  	[tilespmem:s14+$0xC0] =	vst v1  }
0x1a: {  	[tilespmem:s14+$0xD0] =	vst v1  }
0x1b: {  	[tilespmem:s14+$0xE0] =	vst v1;
	s14 =	sshra.s32 s13, $0x2;
	s13 =	sadd.s32 $0x400, s13  }
0x1c: {  	[tilespmem:s14+$0xF0] =	vst v1  }
0x1d: {  	[tilespmem:s14+$0x0] =	vst v1  }
0x1e: {  	[tilespmem:s14+$0x10] =	vst v1  }
0x1f: {  	[tilespmem:s14+$0x20] =	vst v1  }
0x20: {  	[tilespmem:s14+$0x30] =	vst v1  }
0x21: {  	[tilespmem:s14+$0x40] =	vst v1  }
0x22: {  	[tilespmem:s14+$0x50] =	vst v1  }
0x23: {  	[tilespmem:s14+$0x60] =	vst v1  }
0x24: {  	[tilespmem:s14+$0x70] =	vst v1  }
0x25: {  	[tilespmem:s14+$0x80] =	vst v1  }
0x26: {  	[tilespmem:s14+$0x90] =	vst v1  }
0x27: {  	[tilespmem:s14+$0xA0] =	vst v1  }
0x28: {  	[tilespmem:s14+$0xB0] =	vst v1  }
0x29: {  	[tilespmem:s14+$0xC0] =	vst v1  }
0x2a: {  	[tilespmem:s14+$0xD0] =	vst v1  }
0x2b: {  	s13 =	simm.s32 $0x0;
	[tilespmem:s14+$0xE0] =	vst v1;
	s14 =	simm.s32 $0x0  }
.LBB2_4:
0x2c: {  	s15 =	sshll.u32 s14, $0x8  }
0x2d: {  	s16 =	sadd.s32 s2, s15  }
0x2e: {  	[tilespmem:s8], [sflag:$0x1] =	stream.linear.gather [hbm4b:s16+s13], $0x800, $0x38;
	[tilespmem:$0x1A000] =	vst v63  }
0x2f: {  	_ =	swait.ge [sflag:s9], $0x800  }
0x30: {  	[sflag:s9] =	ssyncset.done $0x0  }
0x31: {  	s31 =	sadd.s32 s4, s15;
	[sflag:s9] =	ssyncadd.s32 $0xFFFFF800  }
0x32: {  	[tilespmem:s10], [sflag:$0x1] =	stream.linear.gather [hbm4b:s31+s13], $0x800, $0x38;
	[tilespmem:$0x1A000] =	vst v63  }
0x33: {  	_ =	swait.ge [sflag:s9], $0x800  }
0x34: {  	[sflag:s9] =	ssyncset.done $0x0  }
0x35: {  	s15 =	sadd.s32 s5, s15;
	[sflag:s9] =	ssyncadd.s32 $0xFFFFF800  }
0x36: {  	[tilespmem:s11], [sflag:$0x1] =	stream.linear.gather [hbm4b:s15+s13], $0x800, $0x38;
	[tilespmem:$0x1A000] =	vst v63  }
0x37: {  	_ =	swait.ge [sflag:s9], $0x800  }
0x38: {  	[sflag:s9] =	ssyncset.done $0x0  }
0x39: {  	s15 =	simm.s32 $0x0;
	[sflag:s9] =	ssyncadd.s32 $0xFFFFF800  }
0x3a: {  	v19 =	vld [tilespmem:s15+$0x19000]  }
0x3b: {  	v20 =	vld [tilespmem:s15+$0x18000];
	_ =	sdelay $0x3  }
0x3c: {  	v21 =	vshll.u32 v19, $0x4  }
0x3d: {  	s17 =	simm.s32 $0x10;
	s16 =	simm.s32 $0x80;
	v19 =	vadd.s32 v0, v20;
	[tilespmem:s15+$0x19000] =	vst v21  }
.LBB2_5:
0x3e: {  	p0 =	sne.s32 s16, $0x1FC0;
	v20 =	vld [tilespmem:s17+$0x19000];
	[tilespmem:s15+$0x18800] =	vst v19;
	s15 =	smov.u32 s17  }
0x3f: {  	v19 =	vld [tilespmem:s15+$0x18000]  }
.Ltmp1:
0x40: {  	(pc) =	sbr.rel @p0 .LBB2_5-.Ltmp1, $3  }
0x41: {  	_ =	sdelay $0x1  }
0x42: {  	v20 =	vshll.u32 v20, $0x4  }
0x43: {  	s17 =	sshra.s32 s16, $0x2;
	s16 =	sadd.s32 $0x40, s16;
	v19 =	vadd.s32 v0, v19;
	[tilespmem:s15+$0x19000] =	vst v20  }
0x44: {  	v20 =	vld [tilespmem:s17+$0x19000];
	[tilespmem:s15+$0x18800] =	vst v19  }
0x45: {  	v19 =	vld [tilespmem:s17+$0x18000];
	_ =	sdelay $0x3  }
0x46: {  	v20 =	vshll.u32 v20, $0x4  }
0x47: {  	v19 =	vadd.s32 v0, v19;
	[tilespmem:s17+$0x19000] =	vst v20  }
0x48: {  	s31 =	simm.s32 $0x0;
	[tilespmem:s17+$0x18800] =	vst v19  }
0x49: {  	v19 =	vld [tilespmem:s31+$0x19000];
	_ =	sdelay $0x2  }
0x4a: {  	v20 =	vld [tilespmem:s31+$0x19800]  }
0x4b: {  	s15 =	simm.s32 $0x10080  }
0x4c: {  	v21 =	vld [tilespmem:s15+$0xFFFFFF80];
	v22 =	vperm.xlane v19, v2;
	_ =	sdelay $0x1  }
0x4d: {  	v22 =	vadd.s32 v3, v22  }
0x4e: {  	v23 =	vperm.xlane v20, v2;
	_ =	sdelay $0x1  }
0x4f: {  	v21 =	vmul.f32 v23, v21;
	_ =	sdelay $0x1  }
0x50: {  	[tilespmem:v22+s3+$0x0] =	vst.idx.add.f32.msk $0xffff, v21  }
0x51: {  	v21 =	vperm.xlane v19, v4;
	v22 =	vld [tilespmem:s15+$0xFFFFFF90];
	_ =	sdelay $0x1  }
0x52: {  	v21 =	vadd.s32 v3, v21  }
0x53: {  	v23 =	vperm.xlane v20, v4;
	_ =	sdelay $0x1  }
0x54: {  	v22 =	vmul.f32 v23, v22;
	_ =	sdelay $0x1  }
0x55: {  	[tilespmem:v21+s3+$0x0] =	vst.idx.add.f32.msk $0xffff, v22  }
0x56: {  	v21 =	vperm.xlane v19, v5;
	v22 =	vld [tilespmem:s15+$0xFFFFFFA0];
	_ =	sdelay $0x1  }
0x57: {  	v21 =	vadd.s32 v3, v21  }
0x58: {  	v23 =	vperm.xlane v20, v5;
	_ =	sdelay $0x1  }
0x59: {  	v22 =	vmul.f32 v23, v22;
	_ =	sdelay $0x1  }
0x5a: {  	[tilespmem:v21+s3+$0x0] =	vst.idx.add.f32.msk $0xffff, v22  }
0x5b: {  	v21 =	vperm.xlane v19, v6;
	v22 =	vld [tilespmem:s15+$0xFFFFFFB0];
	_ =	sdelay $0x1  }
0x5c: {  	v21 =	vadd.s32 v3, v21  }
0x5d: {  	v23 =	vperm.xlane v20, v6;
	_ =	sdelay $0x1  }
0x5e: {  	v22 =	vmul.f32 v23, v22;
	_ =	sdelay $0x1  }
0x5f: {  	[tilespmem:v21+s3+$0x0] =	vst.idx.add.f32.msk $0xffff, v22  }
0x60: {  	v21 =	vperm.xlane v19, v7;
	v22 =	vld [tilespmem:s15+$0xFFFFFFC0];
	_ =	sdelay $0x1  }
0x61: {  	v21 =	vadd.s32 v3, v21  }
0x62: {  	v23 =	vperm.xlane v20, v7;
	_ =	sdelay $0x1  }
0x63: {  	v22 =	vmul.f32 v23, v22;
	_ =	sdelay $0x1  }
0x64: {  	[tilespmem:v21+s3+$0x0] =	vst.idx.add.f32.msk $0xffff, v22  }
0x65: {  	v21 =	vperm.xlane v19, v8;
	v22 =	vld [tilespmem:s15+$0xFFFFFFD0];
	_ =	sdelay $0x1  }
0x66: {  	v21 =	vadd.s32 v3, v21  }
0x67: {  	v23 =	vperm.xlane v20, v8;
	_ =	sdelay $0x1  }
0x68: {  	v22 =	vmul.f32 v23, v22;
	_ =	sdelay $0x1  }
0x69: {  	[tilespmem:v21+s3+$0x0] =	vst.idx.add.f32.msk $0xffff, v22  }
0x6a: {  	v21 =	vperm.xlane v19, v9;
	v22 =	vld [tilespmem:s15+$0xFFFFFFE0];
	_ =	sdelay $0x1  }
0x6b: {  	v21 =	vadd.s32 v3, v21  }
0x6c: {  	v23 =	vperm.xlane v20, v9;
	_ =	sdelay $0x1  }
0x6d: {  	v22 =	vmul.f32 v23, v22;
	_ =	sdelay $0x1  }
0x6e: {  	[tilespmem:v21+s3+$0x0] =	vst.idx.add.f32.msk $0xffff, v22  }
0x6f: {  	v21 =	vperm.xlane v19, v10;
	v22 =	vld [tilespmem:s15+$0xFFFFFFF0];
	_ =	sdelay $0x1  }
0x70: {  	v21 =	vadd.s32 v3, v21  }
0x71: {  	v23 =	vperm.xlane v20, v10;
	_ =	sdelay $0x1  }
0x72: {  	v22 =	vmul.f32 v23, v22;
	_ =	sdelay $0x1  }
0x73: {  	[tilespmem:v21+s3+$0x0] =	vst.idx.add.f32.msk $0xffff, v22  }
0x74: {  	v21 =	vperm.xlane v19, v11;
	v22 =	vld [tilespmem:s15+$0x0];
	_ =	sdelay $0x1  }
0x75: {  	v21 =	vadd.s32 v3, v21  }
0x76: {  	v23 =	vperm.xlane v20, v11;
	_ =	sdelay $0x1  }
0x77: {  	v22 =	vmul.f32 v23, v22;
	_ =	sdelay $0x1  }
0x78: {  	[tilespmem:v21+s3+$0x0] =	vst.idx.add.f32.msk $0xffff, v22  }
0x79: {  	v21 =	vperm.xlane v19, v12;
	v22 =	vld [tilespmem:s15+$0x10];
	_ =	sdelay $0x1  }
0x7a: {  	v21 =	vadd.s32 v3, v21  }
0x7b: {  	v23 =	vperm.xlane v20, v12;
	_ =	sdelay $0x1  }
0x7c: {  	v22 =	vmul.f32 v23, v22;
	_ =	sdelay $0x1  }
0x7d: {  	[tilespmem:v21+s3+$0x0] =	vst.idx.add.f32.msk $0xffff, v22  }
0x7e: {  	v21 =	vperm.xlane v19, v13;
	v22 =	vld [tilespmem:s15+$0x20];
	_ =	sdelay $0x1  }
0x7f: {  	v21 =	vadd.s32 v3, v21  }
0x80: {  	v23 =	vperm.xlane v20, v13;
	_ =	sdelay $0x1  }
0x81: {  	v22 =	vmul.f32 v23, v22;
	_ =	sdelay $0x1  }
0x82: {  	[tilespmem:v21+s3+$0x0] =	vst.idx.add.f32.msk $0xffff, v22  }
0x83: {  	v21 =	vperm.xlane v19, v14;
	v22 =	vld [tilespmem:s15+$0x30];
	_ =	sdelay $0x1  }
0x84: {  	v21 =	vadd.s32 v3, v21  }
0x85: {  	v23 =	vperm.xlane v20, v14;
	_ =	sdelay $0x1  }
0x86: {  	v22 =	vmul.f32 v23, v22;
	_ =	sdelay $0x1  }
0x87: {  	[tilespmem:v21+s3+$0x0] =	vst.idx.add.f32.msk $0xffff, v22  }
0x88: {  	v21 =	vperm.xlane v19, v15;
	v22 =	vld [tilespmem:s15+$0x40];
	_ =	sdelay $0x1  }
0x89: {  	v21 =	vadd.s32 v3, v21  }
0x8a: {  	v23 =	vperm.xlane v20, v15;
	_ =	sdelay $0x1  }
0x8b: {  	v22 =	vmul.f32 v23, v22;
	_ =	sdelay $0x1  }
0x8c: {  	[tilespmem:v21+s3+$0x0] =	vst.idx.add.f32.msk $0xffff, v22  }
0x8d: {  	v21 =	vperm.xlane v19, v16;
	v22 =	vld [tilespmem:s15+$0x50];
	_ =	sdelay $0x1  }
0x8e: {  	v21 =	vadd.s32 v3, v21  }
0x8f: {  	v23 =	vperm.xlane v20, v16;
	_ =	sdelay $0x1  }
0x90: {  	v22 =	vmul.f32 v23, v22;
	_ =	sdelay $0x1  }
0x91: {  	[tilespmem:v21+s3+$0x0] =	vst.idx.add.f32.msk $0xffff, v22  }
0x92: {  	v21 =	vperm.xlane v19, v17;
	v22 =	vld [tilespmem:s15+$0x60];
	_ =	sdelay $0x1  }
0x93: {  	v21 =	vadd.s32 v3, v21  }
0x94: {  	v23 =	vperm.xlane v20, v17;
	_ =	sdelay $0x1  }
0x95: {  	v22 =	vmul.f32 v23, v22;
	_ =	sdelay $0x1  }
0x96: {  	[tilespmem:v21+s3+$0x0] =	vst.idx.add.f32.msk $0xffff, v22  }
0x97: {  	v19 =	vperm.xlane v19, v18;
	v21 =	vld [tilespmem:s15+$0x70];
	_ =	sdelay $0x1  }
0x98: {  	v22 =	vperm.xlane v20, v18;
	v20 =	vadd.s32 v3, v19;
	_ =	sdelay $0x2  }
0x99: {  	s16 =	simm.s32 $0x40;
	s18 =	simm.s32 $0x80;
	v19 =	vmul.f32 v22, v21  }
.LBB2_7:
0x9a: {  	s19 =	sshra.s32 s16, $0x2  }
0x9b: {  	s15 =	sadd.s32 $0x100, s15;
	s16 =	smov.u32 s18;
	s17 =	sadd.s32 $0x40, s18;
	[tilespmem:v20+s3+$0x0] =	vst.idx.add.f32.msk $0xffff, v19  }
0x9c: {  	p0 =	sne.s32 s18, $0x1FC0;
	v20 =	vld [tilespmem:s19+$0x19000];
	_ =	sdelay $0x2  }
0x9d: {  	v19 =	vld [tilespmem:s19+$0x19800];
	_ =	sdelay $0x1  }
0x9e: {  	v21 =	vld [tilespmem:s15+$0xFFFFFF80];
	v22 =	vperm.xlane v20, v2;
	v26 =	vperm.xlane v20, v4  }
0x9f: {  	v27 =	vperm.xlane v20, v5;
	v28 =	vperm.xlane v20, v6  }
0xa0: {  	v29 =	vperm.xlane v20, v7;
	v30 =	vperm.xlane v20, v8;
	v22 =	vadd.s32 v3, v22  }
0xa1: {  	v31 =	vperm.xlane v20, v9;
	v23 =	vperm.xlane v19, v2  }
0xa2: {  	v32 =	vperm.xlane v20, v10;
	v33 =	vperm.xlane v20, v11  }
0xa3: {  	v34 =	vperm.xlane v20, v12;
	v21 =	vmul.f32 v23, v21  }
0xa4: {  	v25 =	vperm.xlane v20, v13;
	v24 =	vperm.xlane v20, v14  }
0xa5: {  	v23 =	vperm.xlane v20, v15;
	[tilespmem:v22+s3+$0x0] =	vst.idx.add.f32.msk $0xffff, v21;
	v22 =	vperm.xlane v20, v16  }
0xa6: {  	v21 =	vperm.xlane v20, v17;
	v20 =	vperm.xlane v20, v18;
	v35 =	vld [tilespmem:s15+$0xFFFFFF90];
	_ =	sdelay $0x1  }
0xa7: {  	v26 =	vadd.s32 v3, v26  }
0xa8: {  	v36 =	vperm.xlane v19, v4;
	_ =	sdelay $0x1  }
0xa9: {  	v35 =	vmul.f32 v36, v35;
	_ =	sdelay $0x1  }
0xaa: {  	[tilespmem:v26+s3+$0x0] =	vst.idx.add.f32.msk $0xffff, v35  }
0xab: {  	v26 =	vld [tilespmem:s15+$0xFFFFFFA0];
	_ =	sdelay $0x1  }
0xac: {  	v27 =	vadd.s32 v3, v27  }
0xad: {  	v35 =	vperm.xlane v19, v5;
	_ =	sdelay $0x1  }
0xae: {  	v26 =	vmul.f32 v35, v26;
	_ =	sdelay $0x1  }
0xaf: {  	[tilespmem:v27+s3+$0x0] =	vst.idx.add.f32.msk $0xffff, v26  }
0xb0: {  	v26 =	vld [tilespmem:s15+$0xFFFFFFB0];
	_ =	sdelay $0x1  }
0xb1: {  	v27 =	vadd.s32 v3, v28  }
0xb2: {  	v28 =	vperm.xlane v19, v6;
	_ =	sdelay $0x1  }
0xb3: {  	v26 =	vmul.f32 v28, v26;
	_ =	sdelay $0x1  }
0xb4: {  	[tilespmem:v27+s3+$0x0] =	vst.idx.add.f32.msk $0xffff, v26  }
0xb5: {  	v26 =	vld [tilespmem:s15+$0xFFFFFFC0];
	_ =	sdelay $0x1  }
0xb6: {  	v27 =	vadd.s32 v3, v29  }
0xb7: {  	v28 =	vperm.xlane v19, v7;
	_ =	sdelay $0x1  }
0xb8: {  	v26 =	vmul.f32 v28, v26;
	_ =	sdelay $0x1  }
0xb9: {  	[tilespmem:v27+s3+$0x0] =	vst.idx.add.f32.msk $0xffff, v26  }
0xba: {  	v26 =	vld [tilespmem:s15+$0xFFFFFFD0];
	_ =	sdelay $0x1  }
0xbb: {  	v27 =	vadd.s32 v3, v30  }
0xbc: {  	v28 =	vperm.xlane v19, v8;
	_ =	sdelay $0x1  }
0xbd: {  	v26 =	vmul.f32 v28, v26;
	_ =	sdelay $0x1  }
0xbe: {  	[tilespmem:v27+s3+$0x0] =	vst.idx.add.f32.msk $0xffff, v26  }
0xbf: {  	v26 =	vld [tilespmem:s15+$0xFFFFFFE0];
	_ =	sdelay $0x1  }
0xc0: {  	v27 =	vadd.s32 v3, v31  }
0xc1: {  	v28 =	vperm.xlane v19, v9;
	_ =	sdelay $0x1  }
0xc2: {  	v26 =	vmul.f32 v28, v26;
	_ =	sdelay $0x1  }
0xc3: {  	[tilespmem:v27+s3+$0x0] =	vst.idx.add.f32.msk $0xffff, v26  }
0xc4: {  	v26 =	vld [tilespmem:s15+$0xFFFFFFF0];
	_ =	sdelay $0x1  }
0xc5: {  	v27 =	vadd.s32 v3, v32  }
0xc6: {  	v28 =	vperm.xlane v19, v10;
	_ =	sdelay $0x1  }
0xc7: {  	v26 =	vmul.f32 v28, v26;
	_ =	sdelay $0x1  }
0xc8: {  	[tilespmem:v27+s3+$0x0] =	vst.idx.add.f32.msk $0xffff, v26  }
0xc9: {  	v26 =	vld [tilespmem:s15+$0x0];
	_ =	sdelay $0x1  }
0xca: {  	v27 =	vadd.s32 v3, v33  }
0xcb: {  	v28 =	vperm.xlane v19, v11;
	_ =	sdelay $0x1  }
0xcc: {  	v26 =	vmul.f32 v28, v26;
	_ =	sdelay $0x1  }
0xcd: {  	[tilespmem:v27+s3+$0x0] =	vst.idx.add.f32.msk $0xffff, v26  }
0xce: {  	v26 =	vld [tilespmem:s15+$0x10];
	_ =	sdelay $0x1  }
0xcf: {  	v27 =	vadd.s32 v3, v34  }
0xd0: {  	v28 =	vperm.xlane v19, v12;
	_ =	sdelay $0x1  }
0xd1: {  	v26 =	vmul.f32 v28, v26;
	_ =	sdelay $0x1  }
0xd2: {  	[tilespmem:v27+s3+$0x0] =	vst.idx.add.f32.msk $0xffff, v26  }
0xd3: {  	v26 =	vld [tilespmem:s15+$0x20];
	_ =	sdelay $0x1  }
0xd4: {  	v25 =	vadd.s32 v3, v25  }
0xd5: {  	v27 =	vperm.xlane v19, v13;
	_ =	sdelay $0x1  }
0xd6: {  	v26 =	vmul.f32 v27, v26;
	_ =	sdelay $0x1  }
0xd7: {  	[tilespmem:v25+s3+$0x0] =	vst.idx.add.f32.msk $0xffff, v26  }
0xd8: {  	v25 =	vld [tilespmem:s15+$0x30];
	_ =	sdelay $0x1  }
0xd9: {  	v24 =	vadd.s32 v3, v24  }
0xda: {  	v26 =	vperm.xlane v19, v14;
	_ =	sdelay $0x1  }
0xdb: {  	v25 =	vmul.f32 v26, v25;
	_ =	sdelay $0x1  }
0xdc: {  	[tilespmem:v24+s3+$0x0] =	vst.idx.add.f32.msk $0xffff, v25  }
0xdd: {  	v24 =	vld [tilespmem:s15+$0x40];
	_ =	sdelay $0x1  }
0xde: {  	v23 =	vadd.s32 v3, v23  }
0xdf: {  	v25 =	vperm.xlane v19, v15;
	_ =	sdelay $0x1  }
0xe0: {  	v24 =	vmul.f32 v25, v24;
	_ =	sdelay $0x1  }
0xe1: {  	[tilespmem:v23+s3+$0x0] =	vst.idx.add.f32.msk $0xffff, v24  }
0xe2: {  	v23 =	vld [tilespmem:s15+$0x50];
	_ =	sdelay $0x1  }
0xe3: {  	v22 =	vadd.s32 v3, v22  }
0xe4: {  	v24 =	vperm.xlane v19, v16;
	_ =	sdelay $0x1  }
0xe5: {  	v23 =	vmul.f32 v24, v23;
	_ =	sdelay $0x1  }
0xe6: {  	[tilespmem:v22+s3+$0x0] =	vst.idx.add.f32.msk $0xffff, v23  }
0xe7: {  	v22 =	vld [tilespmem:s15+$0x60];
	_ =	sdelay $0x1  }
0xe8: {  	v21 =	vadd.s32 v3, v21  }
0xe9: {  	v23 =	vperm.xlane v19, v17;
	_ =	sdelay $0x1  }
0xea: {  	v22 =	vmul.f32 v23, v22;
	_ =	sdelay $0x1  }
0xeb: {  	[tilespmem:v21+s3+$0x0] =	vst.idx.add.f32.msk $0xffff, v22  }
0xec: {  	v21 =	vld [tilespmem:s15+$0x70]  }
.Ltmp2:
0xed: {  	(pc) =	sbr.rel @p0 .LBB2_7-.Ltmp2, $3  }
0xee: {  	v20 =	vadd.s32 v3, v20  }
0xef: {  	v19 =	vperm.xlane v19, v18;
	_ =	sdelay $0x1  }
0xf0: {  	s18 =	smov.u32 s17;
	v19 =	vmul.f32 v19, v21  }
0xf1: {  	_ =	sdelay $0x3  }
0xf2: {  	s16 =	sshra.s32 s16, $0x2;
	[tilespmem:v20+s3+$0x0] =	vst.idx.add.f32.msk $0xffff, v19  }
0xf3: {  	v19 =	vld [tilespmem:s16+$0x19000];
	_ =	sdelay $0x2  }
0xf4: {  	v20 =	vld [tilespmem:s16+$0x19800]  }
0xf5: {  	s15 =	sadd.s32 $0x100, s15  }
0xf6: {  	v21 =	vld [tilespmem:s15+$0xFFFFFF80];
	v22 =	vperm.xlane v19, v2;
	_ =	sdelay $0x1  }
0xf7: {  	v22 =	vadd.s32 v3, v22  }
0xf8: {  	v23 =	vperm.xlane v20, v2;
	_ =	sdelay $0x1  }
0xf9: {  	v21 =	vmul.f32 v23, v21;
	_ =	sdelay $0x1  }
0xfa: {  	[tilespmem:v22+s3+$0x0] =	vst.idx.add.f32.msk $0xffff, v21  }
0xfb: {  	v36 =	vperm.xlane v19, v4;
	v22 =	vld [tilespmem:s15+$0xFFFFFF90];
	_ =	sdelay $0x1  }
0xfc: {  	v21 =	vadd.s32 v3, v36  }
0xfd: {  	v37 =	vperm.xlane v20, v4;
	_ =	sdelay $0x1  }
0xfe: {  	v22 =	vmul.f32 v37, v22;
	_ =	sdelay $0x1  }
0xff: {  	[tilespmem:v21+s3+$0x0] =	vst.idx.add.f32.msk $0xffff, v22  }
0x100: {  	v38 =	vperm.xlane v19, v5;
	v22 =	vld [tilespmem:s15+$0xFFFFFFA0];
	_ =	sdelay $0x1  }
0x101: {  	v21 =	vadd.s32 v3, v38  }
0x102: {  	v39 =	vperm.xlane v20, v5;
	_ =	sdelay $0x1  }
0x103: {  	v22 =	vmul.f32 v39, v22;
	_ =	sdelay $0x1  }
0x104: {  	[tilespmem:v21+s3+$0x0] =	vst.idx.add.f32.msk $0xffff, v22  }
0x105: {  	v40 =	vperm.xlane v19, v6;
	v22 =	vld [tilespmem:s15+$0xFFFFFFB0];
	_ =	sdelay $0x1  }
0x106: {  	v21 =	vadd.s32 v3, v40  }
0x107: {  	v41 =	vperm.xlane v20, v6;
	_ =	sdelay $0x1  }
0x108: {  	v22 =	vmul.f32 v41, v22;
	_ =	sdelay $0x1  }
0x109: {  	[tilespmem:v21+s3+$0x0] =	vst.idx.add.f32.msk $0xffff, v22  }
0x10a: {  	v42 =	vperm.xlane v19, v7;
	v22 =	vld [tilespmem:s15+$0xFFFFFFC0];
	_ =	sdelay $0x1  }
0x10b: {  	v21 =	vadd.s32 v3, v42  }
0x10c: {  	v43 =	vperm.xlane v20, v7;
	_ =	sdelay $0x1  }
0x10d: {  	v22 =	vmul.f32 v43, v22;
	_ =	sdelay $0x1  }
0x10e: {  	[tilespmem:v21+s3+$0x0] =	vst.idx.add.f32.msk $0xffff, v22  }
0x10f: {  	v44 =	vperm.xlane v19, v8;
	v22 =	vld [tilespmem:s15+$0xFFFFFFD0];
	_ =	sdelay $0x1  }
0x110: {  	v21 =	vadd.s32 v3, v44  }
0x111: {  	v45 =	vperm.xlane v20, v8;
	_ =	sdelay $0x1  }
0x112: {  	v22 =	vmul.f32 v45, v22;
	_ =	sdelay $0x1  }
0x113: {  	[tilespmem:v21+s3+$0x0] =	vst.idx.add.f32.msk $0xffff, v22  }
0x114: {  	v46 =	vperm.xlane v19, v9;
	v22 =	vld [tilespmem:s15+$0xFFFFFFE0];
	_ =	sdelay $0x1  }
0x115: {  	v21 =	vadd.s32 v3, v46  }
0x116: {  	v47 =	vperm.xlane v20, v9;
	_ =	sdelay $0x1  }
0x117: {  	v22 =	vmul.f32 v47, v22;
	_ =	sdelay $0x1  }
0x118: {  	[tilespmem:v21+s3+$0x0] =	vst.idx.add.f32.msk $0xffff, v22  }
0x119: {  	v48 =	vperm.xlane v19, v10;
	v22 =	vld [tilespmem:s15+$0xFFFFFFF0];
	_ =	sdelay $0x1  }
0x11a: {  	v21 =	vadd.s32 v3, v48  }
0x11b: {  	v49 =	vperm.xlane v20, v10;
	_ =	sdelay $0x1  }
0x11c: {  	v22 =	vmul.f32 v49, v22;
	_ =	sdelay $0x1  }
0x11d: {  	[tilespmem:v21+s3+$0x0] =	vst.idx.add.f32.msk $0xffff, v22  }
0x11e: {  	v50 =	vperm.xlane v19, v11;
	v22 =	vld [tilespmem:s15+$0x0];
	_ =	sdelay $0x1  }
0x11f: {  	v21 =	vadd.s32 v3, v50  }
0x120: {  	v51 =	vperm.xlane v20, v11;
	_ =	sdelay $0x1  }
0x121: {  	v22 =	vmul.f32 v51, v22;
	_ =	sdelay $0x1  }
0x122: {  	[tilespmem:v21+s3+$0x0] =	vst.idx.add.f32.msk $0xffff, v22  }
0x123: {  	v52 =	vperm.xlane v19, v12;
	v22 =	vld [tilespmem:s15+$0x10];
	_ =	sdelay $0x1  }
0x124: {  	v21 =	vadd.s32 v3, v52  }
0x125: {  	v53 =	vperm.xlane v20, v12;
	_ =	sdelay $0x1  }
0x126: {  	v22 =	vmul.f32 v53, v22;
	_ =	sdelay $0x1  }
0x127: {  	[tilespmem:v21+s3+$0x0] =	vst.idx.add.f32.msk $0xffff, v22  }
0x128: {  	v54 =	vperm.xlane v19, v13;
	v22 =	vld [tilespmem:s15+$0x20];
	_ =	sdelay $0x1  }
0x129: {  	v21 =	vadd.s32 v3, v54  }
0x12a: {  	v55 =	vperm.xlane v20, v13;
	_ =	sdelay $0x1  }
0x12b: {  	v22 =	vmul.f32 v55, v22;
	_ =	sdelay $0x1  }
0x12c: {  	[tilespmem:v21+s3+$0x0] =	vst.idx.add.f32.msk $0xffff, v22  }
0x12d: {  	v56 =	vperm.xlane v19, v14;
	v22 =	vld [tilespmem:s15+$0x30];
	_ =	sdelay $0x1  }
0x12e: {  	v21 =	vadd.s32 v3, v56  }
0x12f: {  	v57 =	vperm.xlane v20, v14;
	_ =	sdelay $0x1  }
0x130: {  	v22 =	vmul.f32 v57, v22;
	_ =	sdelay $0x1  }
0x131: {  	[tilespmem:v21+s3+$0x0] =	vst.idx.add.f32.msk $0xffff, v22  }
0x132: {  	v58 =	vperm.xlane v19, v15;
	v22 =	vld [tilespmem:s15+$0x40];
	_ =	sdelay $0x1  }
0x133: {  	v21 =	vadd.s32 v3, v58  }
0x134: {  	v59 =	vperm.xlane v20, v15;
	_ =	sdelay $0x1  }
0x135: {  	v22 =	vmul.f32 v59, v22;
	_ =	sdelay $0x1  }
0x136: {  	[tilespmem:v21+s3+$0x0] =	vst.idx.add.f32.msk $0xffff, v22  }
0x137: {  	v60 =	vperm.xlane v19, v16;
	v22 =	vld [tilespmem:s15+$0x50];
	_ =	sdelay $0x1  }
0x138: {  	v21 =	vadd.s32 v3, v60  }
0x139: {  	v61 =	vperm.xlane v20, v16;
	_ =	sdelay $0x1  }
0x13a: {  	v22 =	vmul.f32 v61, v22;
	_ =	sdelay $0x1  }
0x13b: {  	[tilespmem:v21+s3+$0x0] =	vst.idx.add.f32.msk $0xffff, v22  }
0x13c: {  	v62 =	vperm.xlane v19, v17;
	v22 =	vld [tilespmem:s15+$0x60];
	_ =	sdelay $0x1  }
0x13d: {  	v21 =	vadd.s32 v3, v62  }
0x13e: {  	v63 =	vperm.xlane v20, v17;
	_ =	sdelay $0x1  }
0x13f: {  	v22 =	vmul.f32 v63, v22;
	_ =	sdelay $0x1  }
0x140: {  	[tilespmem:v21+s3+$0x0] =	vst.idx.add.f32.msk $0xffff, v22  }
0x141: {  	v19 =	vperm.xlane v19, v18;
	v21 =	vld [tilespmem:s15+$0x70]  }
0x142: {  	s14 =	sadd.s32 $0x1, s14  }
0x143: {  	p0 =	sne.s32 s14, $0x52;
	v19 =	vadd.s32 v3, v19  }
.Ltmp3:
0x144: {  	v20 =	vperm.xlane v20, v18;
	(pc) =	sbr.rel @p0 .LBB2_4-.Ltmp3, $3  }
0x145: {  	_ = 	snop  }
0x146: {  	v20 =	vmul.f32 v20, v21;
	_ =	sdelay $0x1  }
0x147: {  	[tilespmem:v19+s3+$0x0] =	vst.idx.add.f32.msk $0xffff, v20  }
0x148: {  	s12 =	sadd.s32 $0x1, s12  }
0x149: {  	p0 =	sne.s32 s12, s7  }
.Ltmp4:
0x14a: {  	_ = 	snop;
	(pc) =	sbr.rel @p0 .LBB2_1-.Ltmp4, $4  }
0x14b: {  	[hbm4b:s6+s3] =	stream.linear.scatter [tilespmem:s3], [sflag:$0x1], $0x10000, $0x38;
	[tilespmem:$0x1A000] =	vst v63  }
0x14c: {  	_ =	swait.ge [sflag:s9], $0x10000  }
0x14d: {  	[sflag:s9] =	ssyncset.done $0x0  }
0x14e: {  	[sflag:s9] =	ssyncadd.s32 $0xFFFF0000  }
0x14f: {  	_ =	sfence.sel $0x180000  }
0x150: {  	[bflag:$0x0] =	sbarrier.arrive $0xFFFF  }
0x151: {  	p0 =	sne.s32 s0, $0x0;
	_ =	strace $0x90000047  }
0x152: {  	s0 =	sadd.s32 @!p0 $0x100000, s1;
	[bflag:$0x2] =	sbarrier.arrive $0xFFFF  }
0x153: {  	[sflag:s0] =	ssyncadd.tile.s32 @!p0 $0x1;
	_ =	shalt  }
.Lfunc_end2:
_tile_overlayer_lowered:
.L_overlay_start_2:
0x154: {  	(tag) =	ssettag $0x2  }
0x155: {  	s0 =	rddreg [dreg:$0x0];
	s2 =	stileid.u32  }
0x156: {  	s1 =	rddreg [dreg:$0x1];
	p0 =	sne.s32 s2, $0x0  }
0x157: {  	s3 =	rddreg [dreg:$0x2];
	[bflag:$0x3] =	sbarrier.arrive $0xFFFF;
	s2 =	simm.s32 @!p0 $0x1C01  }
0x158: {  	[timem:s3], [sflag:s2] =	dma.local @!p0 [hbm:s0], s1  }
0x159: {  	s0 =	simm.s32 @!p0 $0x1  }
0x15a: {  	_ =	swait.ge @!p0 [sflag:s0], s1  }
0x15b: {  	s1 =	ssub.s32 @!p0 $0x0, s1;
	[sflag:s0] =	ssyncset.done @!p0 $0x0  }
0x15c: {  	[sflag:s0] =	ssyncadd.s32 @!p0 s1  }
0x15d: {  	[bflag:$0x3] =	sbarrier.arrive $0xFFFF  }
0x15e: {  	_ =	shalt  }

</sc_bundles>
